<compile_context>
chip_gen: v7x
topology: tpu7x:2x2x1
jax: 0.10.2.dev20260603
libtpu: 0.0.44.dev20260713+nightly
codegen_flags: <defaults>
</compile_context>

<pallas_src>
import functools

import jax
import jax.numpy as jnp
from jax import lax
from jax.experimental import pallas as pl
from jax.experimental.pallas import tpu as pltpu
from jax.experimental.pallas import tpu_sc as plsc

N = 10000
D = 128
E = 320000

NC = 2
NS = 16
NW = NC * NS

NP = 10240
RPT = NP // NS

B = 128
NBT0 = 97
NBT1 = 60
EP = NS * (NBT0 + NBT1) * B

_MESH = dict(core_axis_name="c", subcore_axis_name="s", num_cores=NC,
             num_subcores=NS)



def _sc_deg(dstA, dstB, z1):

    @functools.partial(
        pl.kernel,
        out_type=jax.ShapeDtypeStruct((NC, NP), jnp.float32),
        mesh=plsc.VectorSubcoreMesh(**_MESH),
        scratch_types=[
            pltpu.VMEM((NBT0, B), jnp.int32),
            pltpu.VMEM((B,), jnp.float32),
            pltpu.VMEM_SHARED((NP,), jnp.float32),
        ],
    )
    def k(dstA_hbm, dstB_hbm, z1_hbm, degp_hbm, dstv, ones_v, dacc):
        c = lax.axis_index("c")
        s = lax.axis_index("s")
        nbt = jnp.where(c == 0, NBT0, NBT1)
        pltpu.sync_copy(z1_hbm.at[pl.ds(s * RPT, RPT)],
                        dacc.at[pl.ds(s * RPT, RPT)])
        for i in range(B // 16):
            ones_v[pl.ds(i * 16, 16)] = jnp.ones((16,), jnp.float32)

        @pl.when(c == 0)
        def _():
            pltpu.sync_copy(dstA_hbm.at[s], dstv.at[pl.ds(0, NBT0)])

        @pl.when(c == 1)
        def _():
            pltpu.sync_copy(dstB_hbm.at[s], dstv.at[pl.ds(0, NBT1)])

        plsc.subcore_barrier()

        def body(j, carry):
            pltpu.sync_copy(ones_v, dacc.at[dstv.at[j]], add=True)
            return carry

        lax.fori_loop(0, nbt, body, 0)
        plsc.subcore_barrier()
        pltpu.sync_copy(dacc.at[pl.ds(s * RPT, RPT)],
                        degp_hbm.at[c, pl.ds(s * RPT, RPT)])

    return k(dstA, dstB, z1)


def _make_sc_agg(do_t):

    outs = [jax.ShapeDtypeStruct((NC, NP, D), jnp.float32)]
    scratch = [
        pltpu.VMEM((NBT0, B), jnp.int32),
        pltpu.VMEM((NBT0, B), jnp.int32),
        pltpu.VMEM((B, D), jnp.float32),
        pltpu.VMEM_SHARED((NP, D), jnp.float32),
        pltpu.SemaphoreType.DMA,
    ]
    if do_t:
        outs.append(jax.ShapeDtypeStruct((NC, NP), jnp.float32))
        scratch += [
            pltpu.VMEM((B,), jnp.float32),
            pltpu.VMEM_SHARED((NP,), jnp.float32),
            pltpu.SemaphoreType.DMA,
        ]

    @functools.partial(
        pl.kernel,
        out_type=tuple(outs) if do_t else outs[0],
        mesh=plsc.VectorSubcoreMesh(**_MESH),
        scratch_types=scratch,
    )
    def k(hs_hbm, srcA_hbm, dstA_hbm, srcB_hbm, dstB_hbm, dis_hbm,
          z2_hbm, z1_hbm, *rest):
        if do_t:
            (agg_hbm, t_hbm, srcv, dstv, rows, acc, sem,
             val, tacc, sem2) = rest
        else:
            agg_hbm, srcv, dstv, rows, acc, sem = rest
        c = lax.axis_index("c")
        s = lax.axis_index("s")
        nbt = jnp.where(c == 0, NBT0, NBT1)
        pltpu.sync_copy(z2_hbm.at[pl.ds(s * RPT, RPT)],
                        acc.at[pl.ds(s * RPT, RPT)])
        if do_t:
            pltpu.sync_copy(z1_hbm.at[pl.ds(s * RPT, RPT)],
                            tacc.at[pl.ds(s * RPT, RPT)])

        @pl.when(c == 0)
        def _():
            pltpu.sync_copy(srcA_hbm.at[s], srcv.at[pl.ds(0, NBT0)])
            pltpu.sync_copy(dstA_hbm.at[s], dstv.at[pl.ds(0, NBT0)])

        @pl.when(c == 1)
        def _():
            pltpu.sync_copy(srcB_hbm.at[s], srcv.at[pl.ds(0, NBT1)])
            pltpu.sync_copy(dstB_hbm.at[s], dstv.at[pl.ds(0, NBT1)])

        plsc.subcore_barrier()

        def body(j, carry):
            h = pltpu.async_copy(hs_hbm.at[srcv.at[j]], rows, sem)
            if do_t:
                hv = pltpu.async_copy(dis_hbm.at[dstv.at[j]], val, sem2)
            h.wait()
            pltpu.sync_copy(rows, acc.at[dstv.at[j]], add=True)
            if do_t:
                hv.wait()
                pltpu.sync_copy(val, tacc.at[srcv.at[j]], add=True)
            return carry

        lax.fori_loop(0, nbt, body, 0)
        plsc.subcore_barrier()
        pltpu.sync_copy(acc.at[pl.ds(s * RPT, RPT)],
                        agg_hbm.at[c, pl.ds(s * RPT, RPT)])
        if do_t:
            pltpu.sync_copy(tacc.at[pl.ds(s * RPT, RPT)],
                            t_hbm.at[c, pl.ds(s * RPT, RPT)])

    return k


_sc_agg_t = _make_sc_agg(True)
_sc_agg = _make_sc_agg(False)



RB = 640
GRID = NP // RB


def _tc1_body(x_ref, w1_ref, degp_ref, hs_ref, dis_ref):
    pid = pl.program_id(0)
    deg = degp_ref[0] + degp_ref[1] + 1.0
    rows = pid * RB + lax.broadcasted_iota(jnp.int32, (RB, 1), 0)
    dis = jnp.where(rows < N, lax.rsqrt(deg), 0.0)
    h = jnp.dot(x_ref[...], w1_ref[...], preferred_element_type=jnp.float32)
    hs_ref[...] = dis * h
    dis_ref[...] = dis


def _tc1(x_pad, w1, degp):
    return pl.pallas_call(
        _tc1_body,
        grid=(GRID,),
        in_specs=[
            pl.BlockSpec((RB, D), lambda i: (i, 0)),
            pl.BlockSpec((D, D), lambda i: (0, 0)),
            pl.BlockSpec((NC, RB, 1), lambda i: (0, i, 0)),
        ],
        out_specs=[
            pl.BlockSpec((RB, D), lambda i: (i, 0)),
            pl.BlockSpec((RB, 1), lambda i: (i, 0)),
        ],
        out_shape=[
            jax.ShapeDtypeStruct((NP, D), jnp.float32),
            jax.ShapeDtypeStruct((NP, 1), jnp.float32),
        ],
    )(x_pad, w1, degp)


def _tc2_body(aggp_ref, hs1_ref, dis_ref, b1_ref, w2_ref, hs2_ref):
    dis = dis_ref[...]
    a = aggp_ref[0] + aggp_ref[1] + hs1_ref[...]
    h1 = jnp.maximum(dis * a + b1_ref[...], 0.0)
    hs2_ref[...] = dis * jnp.dot(h1, w2_ref[...],
                                 preferred_element_type=jnp.float32)


def _tc2(aggp, hs1, dis, b1, w2):
    return pl.pallas_call(
        _tc2_body,
        grid=(GRID,),
        in_specs=[
            pl.BlockSpec((NC, RB, D), lambda i: (0, i, 0)),
            pl.BlockSpec((RB, D), lambda i: (i, 0)),
            pl.BlockSpec((RB, 1), lambda i: (i, 0)),
            pl.BlockSpec((1, D), lambda i: (0, 0)),
            pl.BlockSpec((D, D), lambda i: (0, 0)),
        ],
        out_specs=pl.BlockSpec((RB, D), lambda i: (i, 0)),
        out_shape=jax.ShapeDtypeStruct((NP, D), jnp.float32),
    )(aggp, hs1, dis, b1, w2)


def _tc3_body(aggp_ref, hs2_ref, dis_ref, tp_ref, b2_ref, w3_ref, b3_ref,
              m1_ref, mb1_ref, m2_ref, mb2_ref, out_ref, zacc):
    pid = pl.program_id(0)
    dis = dis_ref[...]
    a = aggp_ref[0] + aggp_ref[1] + hs2_ref[...]
    h2 = jnp.maximum(dis * a + b2_ref[...], 0.0)
    cvec = dis * (tp_ref[0] + tp_ref[1] + dis)
    part = jnp.sum(cvec * h2, axis=0, keepdims=True)

    @pl.when(pid == 0)
    def _():
        zacc[...] = jnp.zeros_like(zacc)

    zacc[...] += part

    @pl.when(pid == GRID - 1)
    def _():
        z = zacc[...] * (1.0 / N)
        g = jnp.dot(z, w3_ref[...], preferred_element_type=jnp.float32)
        g = g + b3_ref[...]
        g = jnp.maximum(
            jnp.dot(g, m1_ref[...], preferred_element_type=jnp.float32)
            + mb1_ref[...], 0.0)
        g = jnp.dot(g, m2_ref[...], preferred_element_type=jnp.float32)
        g = g + mb2_ref[...]
        out_ref[...] = g


def _tc3(aggp, hs2, dis, tp, b2, w3, b3, m1, mb1, m2, mb2):
    vec = pl.BlockSpec((1, D), lambda i: (0, 0))
    mat = pl.BlockSpec((D, D), lambda i: (0, 0))
    return pl.pallas_call(
        _tc3_body,
        grid=(GRID,),
        in_specs=[
            pl.BlockSpec((NC, RB, D), lambda i: (0, i, 0)),
            pl.BlockSpec((RB, D), lambda i: (i, 0)),
            pl.BlockSpec((RB, 1), lambda i: (i, 0)),
            pl.BlockSpec((NC, RB, 1), lambda i: (0, i, 0)),
            vec, mat, vec, mat, vec, mat, vec,
        ],
        out_specs=pl.BlockSpec((1, D), lambda i: (0, 0)),
        out_shape=jax.ShapeDtypeStruct((1, D), jnp.float32),
        scratch_shapes=[pltpu.VMEM((1, D), jnp.float32)],
    )(aggp, hs2, dis, tp, b2, w3, b3, m1, mb1, m2, mb2)



def kernel(x, edge_index, W1, b1, W2, b2, W3, b3, M1, mb1, M2, mb2):
    x_pad = jnp.pad(x, ((0, NP - N), (0, 0)))
    pad = jnp.full((EP - E,), NP - 1, dtype=jnp.int32)
    EA = NS * NBT0 * B
    src_f = jnp.concatenate([edge_index[0], pad])
    dst_f = jnp.concatenate([edge_index[1], pad])
    srcA = src_f[:EA].reshape(NS, NBT0, B)
    dstA = dst_f[:EA].reshape(NS, NBT0, B)
    srcB = src_f[EA:].reshape(NS, NBT1, B)
    dstB = dst_f[EA:].reshape(NS, NBT1, B)
    z1 = jnp.zeros((NP,), jnp.float32)
    z2 = jnp.zeros((NP, D), jnp.float32)

    degp = _sc_deg(dstA, dstB, z1)
    hs1, dis = _tc1(x_pad, W1, degp.reshape(NC, NP, 1))
    dis1 = dis.reshape(NP)
    agg1, t = _sc_agg_t(hs1, srcA, dstA, srcB, dstB, dis1, z2, z1)
    hs2 = _tc2(agg1, hs1, dis, b1.reshape(1, D), W2)
    agg2 = _sc_agg(hs2, srcA, dstA, srcB, dstB, dis1, z2, z1)
    g = _tc3(agg2, hs2, dis, t.reshape(NC, NP, 1), b2.reshape(1, D),
             W3, b3.reshape(1, D), M1, mb1.reshape(1, D), M2,
             mb2.reshape(1, D))
    return g

# --- scband reference (transcript-rebuilt; emitter-appended) ---
"""Pipeline reference for scband-assembly-gnn-10445360463974 (READ-ONLY COPY).

The authoritative reference and input builder live on the scoring server;
editing this copy changes nothing except your own understanding.
"""

import jax, jax.numpy as jnp
import numpy as np

N = 10000
E = 320000
D_IN = 128
D_HID = 128
D_OUT = 128


def setup_inputs(seed: int = 0) -> dict:
    key = jax.random.key(seed)
    ks = jax.random.split(key, 12)
    x = jax.random.normal(ks[0], (N, D_IN), dtype=jnp.float32)
    edge_index = jax.random.randint(ks[1], (2, E), 0, N, dtype=jnp.int32)
    s1 = 1.0 / np.sqrt(D_IN)
    s2 = 1.0 / np.sqrt(D_HID)
    s3 = 1.0 / np.sqrt(D_OUT)
    W1 = jax.random.normal(ks[2], (D_IN, D_HID), dtype=jnp.float32) * s1
    b1 = jnp.zeros((D_HID,), dtype=jnp.float32)
    W2 = jax.random.normal(ks[3], (D_HID, D_HID), dtype=jnp.float32) * s2
    b2 = jnp.zeros((D_HID,), dtype=jnp.float32)
    W3 = jax.random.normal(ks[4], (D_HID, D_OUT), dtype=jnp.float32) * s2
    b3 = jnp.zeros((D_OUT,), dtype=jnp.float32)
    M1 = jax.random.normal(ks[5], (D_OUT, D_OUT), dtype=jnp.float32) * s3
    mb1 = jnp.zeros((D_OUT,), dtype=jnp.float32)
    M2 = jax.random.normal(ks[6], (D_OUT, D_OUT), dtype=jnp.float32) * s3
    mb2 = jnp.zeros((D_OUT,), dtype=jnp.float32)
    return {"x": x, "edge_index": edge_index, "W1": W1, "b1": b1, "W2": W2, "b2": b2, "W3": W3, "b3": b3, "M1": M1, "mb1": mb1, "M2": M2, "mb2": mb2}


def _gcn_conv(x, edge_index, W, b):
    # GCNConv: D^{-1/2} (A + I) D^{-1/2} X W + b, with added self-loops
    h = x @ W
    self_loop = jnp.arange(N, dtype=edge_index.dtype)
    src = jnp.concatenate([edge_index[0], self_loop])
    dst = jnp.concatenate([edge_index[1], self_loop])
    ones = jnp.ones(src.shape[0], dtype=h.dtype)
    deg = jax.ops.segment_sum(ones, dst, num_segments=N)
    deg_inv_sqrt = jnp.where(deg > 0, 1.0 / jnp.sqrt(deg), 0.0)
    norm = deg_inv_sqrt[src] * deg_inv_sqrt[dst]
    msg = h[src] * norm[:, None]
    out = jax.ops.segment_sum(msg, dst, num_segments=N)
    return out + b


def reference(x, edge_index, W1, b1, W2, b2, W3, b3, M1, mb1, M2, mb2):
    # conv_first + relu (dropout is identity in eval mode)
    h = jax.nn.relu(_gcn_conv(x, edge_index, W1, b1))
    # one middle conv (num_layers=3 -> num_layers-2=1)
    h = jax.nn.relu(_gcn_conv(h, edge_index, W2, b2))
    # conv_last
    h = _gcn_conv(h, edge_index, W3, b3)
    # batch is None -> global mean over all nodes
    g = jnp.mean(h, axis=0, keepdims=True)
    # mlp: Linear -> ReLU -> Linear
    g = jax.nn.relu(g @ M1 + mb1)
    g = g @ M2 + mb2
    return g

if __name__ == "__main__":
    import jax
    _d = setup_inputs()
    print(jax.jit(kernel)(*tuple(_d.values())))

</pallas_src>

<mosaic_0001>
#map = affine_map<(d0, d1) -> (0, 0, 0)>
#map1 = affine_map<(d0, d1) -> (0)>
#map2 = affine_map<(d0, d1) -> (0, 0)>
module attributes {stable_mosaic.version = 14 : i64} {
  func.func @k(%arg0: i32, %arg1: i32, %arg2: memref<16x97x128xi32, #tpu.memory_space<hbm>>, %arg3: memref<16x60x128xi32, #tpu.memory_space<hbm>>, %arg4: memref<10240xf32, #tpu.memory_space<hbm>>, %arg5: memref<2x10240xf32, #tpu.memory_space<hbm>>, %arg6: memref<97x128xi32, #tpu.memory_space<vmem>>, %arg7: memref<128xf32, #tpu.memory_space<vmem>>, %arg8: memref<10240xf32, #tpu.memory_space<vmem_shared>>) attributes {dimension_semantics = [#tpu.dimension_semantics<core_parallel>, #tpu.dimension_semantics<subcore_parallel>], iteration_bounds = array<i64: 2, 16>, scalar_prefetch = 0 : i64, scratch_operands = 3 : i64, tpu.core_type = #tpu.core_type<sc_vector_subcore>, window_params = [{transform_indices = #map}, {transform_indices = #map}, {transform_indices = #map1}, {transform_indices = #map2}]} {
    %eq3A = arith.constant 0 : i32
    %eq3A_0 = arith.cmpi eq, %arg0, %eq3A : i32
    %jit3A = arith.constant 97 : i32
    %jit3A_1 = arith.constant 60 : i32
    %select_n3A = arith.select %eq3A_0, %jit3A, %jit3A_1 : i32
    %mul3A = arith.constant 640 : i32
    %mul3A_2 = arith.muli %arg1, %mul3A : i32
    %mul3A_3 = arith.constant 640 : i32
    %mul3A_4 = arith.muli %arg1, %mul3A_3 : i32
    "tpu.region"() ({
      %run_scoped3A = tpu.sem_alloc : memref<!tpu.dma_semaphore, #tpu.memory_space<semaphore_mem>>
      %dma_start3A = tpu.memref_slice %arg8[%mul3A_4] : memref<10240xf32, #tpu.memory_space<vmem_shared>> -> memref<640xf32, #tpu.memory_space<vmem_shared>>
      %dma_start3A_73 = tpu.memref_slice %arg4[%mul3A_2] : memref<10240xf32, #tpu.memory_space<hbm>> -> memref<640xf32, #tpu.memory_space<hbm>>
      tpu.enqueue_dma source(%dma_start3A_73 : memref<640xf32, #tpu.memory_space<hbm>>) target(%dma_start3A : memref<640xf32, #tpu.memory_space<vmem_shared>>) target_semaphore(%run_scoped3A : memref<!tpu.dma_semaphore, #tpu.memory_space<semaphore_mem>>)
      %dma_wait3A = tpu.memref_slice %arg8[%mul3A_4] : memref<10240xf32, #tpu.memory_space<vmem_shared>> -> memref<640xf32, #tpu.memory_space<vmem_shared>>
      %dma_wait3A_74 = tpu.memref_slice %arg4[%mul3A_2] : memref<10240xf32, #tpu.memory_space<hbm>> -> memref<640xf32, #tpu.memory_space<hbm>>
      tpu.wait_dma2 semaphore(%run_scoped3A : memref<!tpu.dma_semaphore, #tpu.memory_space<semaphore_mem>>) src(%dma_wait3A_74 : memref<640xf32, #tpu.memory_space<hbm>>) dst(%dma_wait3A : memref<640xf32, #tpu.memory_space<vmem_shared>>)
      tpu.yield
    }) : () -> ()
    %broadcast_in_dim3A = arith.constant 1.000000e+00 : f32
    %broadcast_in_dim3A_5 = vector.broadcast %broadcast_in_dim3A : f32 to vector<16xf32>
    %swap3A = arith.constant 0 : index
    %swap3A_6 = tpu.vector_load %arg7[%swap3A] {strides = array<i32>} : memref<128xf32, #tpu.memory_space<vmem>>, vector<16xf32>,
    %swap3A_7 = vector.shape_cast %swap3A_6 : vector<16xf32> to vector<16xf32>
    %swap3A_8 = vector.shape_cast %broadcast_in_dim3A_5 : vector<16xf32> to vector<16xf32>
    tpu.vector_store %arg7[%swap3A], %swap3A_8 {strides = array<i32>} : memref<128xf32, #tpu.memory_space<vmem>>, vector<16xf32>,
    %broadcast_in_dim3A_9 = arith.constant 1.000000e+00 : f32
    %broadcast_in_dim3A_10 = vector.broadcast %broadcast_in_dim3A_9 : f32 to vector<16xf32>
    %swap3A_11 = arith.constant 16 : index
    %swap3A_12 = tpu.vector_load %arg7[%swap3A_11] {strides = array<i32>} : memref<128xf32, #tpu.memory_space<vmem>>, vector<16xf32>,
    %swap3A_13 = vector.shape_cast %swap3A_12 : vector<16xf32> to vector<16xf32>
    %swap3A_14 = vector.shape_cast %broadcast_in_dim3A_10 : vector<16xf32> to vector<16xf32>
    tpu.vector_store %arg7[%swap3A_11], %swap3A_14 {strides = array<i32>} : memref<128xf32, #tpu.memory_space<vmem>>, vector<16xf32>,
    %broadcast_in_dim3A_15 = arith.constant 1.000000e+00 : f32
    %broadcast_in_dim3A_16 = vector.broadcast %broadcast_in_dim3A_15 : f32 to vector<16xf32>
    %swap3A_17 = arith.constant 32 : index
    %swap3A_18 = tpu.vector_load %arg7[%swap3A_17] {strides = array<i32>} : memref<128xf32, #tpu.memory_space<vmem>>, vector<16xf32>,
    %swap3A_19 = vector.shape_cast %swap3A_18 : vector<16xf32> to vector<16xf32>
    %swap3A_20 = vector.shape_cast %broadcast_in_dim3A_16 : vector<16xf32> to vector<16xf32>
    tpu.vector_store %arg7[%swap3A_17], %swap3A_20 {strides = array<i32>} : memref<128xf32, #tpu.memory_space<vmem>>, vector<16xf32>,
    %broadcast_in_dim3A_21 = arith.constant 1.000000e+00 : f32
    %broadcast_in_dim3A_22 = vector.broadcast %broadcast_in_dim3A_21 : f32 to vector<16xf32>
    %swap3A_23 = arith.constant 48 : index
    %swap3A_24 = tpu.vector_load %arg7[%swap3A_23] {strides = array<i32>} : memref<128xf32, #tpu.memory_space<vmem>>, vector<16xf32>,
    %swap3A_25 = vector.shape_cast %swap3A_24 : vector<16xf32> to vector<16xf32>
    %swap3A_26 = vector.shape_cast %broadcast_in_dim3A_22 : vector<16xf32> to vector<16xf32>
    tpu.vector_store %arg7[%swap3A_23], %swap3A_26 {strides = array<i32>} : memref<128xf32, #tpu.memory_space<vmem>>, vector<16xf32>,
    %broadcast_in_dim3A_27 = arith.constant 1.000000e+00 : f32
    %broadcast_in_dim3A_28 = vector.broadcast %broadcast_in_dim3A_27 : f32 to vector<16xf32>
    %swap3A_29 = arith.constant 64 : index
    %swap3A_30 = tpu.vector_load %arg7[%swap3A_29] {strides = array<i32>} : memref<128xf32, #tpu.memory_space<vmem>>, vector<16xf32>,
    %swap3A_31 = vector.shape_cast %swap3A_30 : vector<16xf32> to vector<16xf32>
    %swap3A_32 = vector.shape_cast %broadcast_in_dim3A_28 : vector<16xf32> to vector<16xf32>
    tpu.vector_store %arg7[%swap3A_29], %swap3A_32 {strides = array<i32>} : memref<128xf32, #tpu.memory_space<vmem>>, vector<16xf32>,
    %broadcast_in_dim3A_33 = arith.constant 1.000000e+00 : f32
    %broadcast_in_dim3A_34 = vector.broadcast %broadcast_in_dim3A_33 : f32 to vector<16xf32>
    %swap3A_35 = arith.constant 80 : index
    %swap3A_36 = tpu.vector_load %arg7[%swap3A_35] {strides = array<i32>} : memref<128xf32, #tpu.memory_space<vmem>>, vector<16xf32>,
    %swap3A_37 = vector.shape_cast %swap3A_36 : vector<16xf32> to vector<16xf32>
    %swap3A_38 = vector.shape_cast %broadcast_in_dim3A_34 : vector<16xf32> to vector<16xf32>
    tpu.vector_store %arg7[%swap3A_35], %swap3A_38 {strides = array<i32>} : memref<128xf32, #tpu.memory_space<vmem>>, vector<16xf32>,
    %broadcast_in_dim3A_39 = arith.constant 1.000000e+00 : f32
    %broadcast_in_dim3A_40 = vector.broadcast %broadcast_in_dim3A_39 : f32 to vector<16xf32>
    %swap3A_41 = arith.constant 96 : index
    %swap3A_42 = tpu.vector_load %arg7[%swap3A_41] {strides = array<i32>} : memref<128xf32, #tpu.memory_space<vmem>>, vector<16xf32>,
    %swap3A_43 = vector.shape_cast %swap3A_42 : vector<16xf32> to vector<16xf32>
    %swap3A_44 = vector.shape_cast %broadcast_in_dim3A_40 : vector<16xf32> to vector<16xf32>
    tpu.vector_store %arg7[%swap3A_41], %swap3A_44 {strides = array<i32>} : memref<128xf32, #tpu.memory_space<vmem>>, vector<16xf32>,
    %broadcast_in_dim3A_45 = arith.constant 1.000000e+00 : f32
    %broadcast_in_dim3A_46 = vector.broadcast %broadcast_in_dim3A_45 : f32 to vector<16xf32>
    %swap3A_47 = arith.constant 112 : index
    %swap3A_48 = tpu.vector_load %arg7[%swap3A_47] {strides = array<i32>} : memref<128xf32, #tpu.memory_space<vmem>>, vector<16xf32>,
    %swap3A_49 = vector.shape_cast %swap3A_48 : vector<16xf32> to vector<16xf32>
    %swap3A_50 = vector.shape_cast %broadcast_in_dim3A_46 : vector<16xf32> to vector<16xf32>
    tpu.vector_store %arg7[%swap3A_47], %swap3A_50 {strides = array<i32>} : memref<128xf32, #tpu.memory_space<vmem>>, vector<16xf32>,
    %eq3A_51 = arith.constant 0 : i32
    %eq3A_52 = arith.cmpi eq, %arg0, %eq3A_51 : i32
    %convert_element_type3A = arith.extui %eq3A_52 : i1 to i32
    %cond3A = arith.constant 0 : i32
    %cond3A_53 = arith.cmpi ne, %convert_element_type3A, %cond3A : i32
    scf.if %cond3A_53 {
      "tpu.region"() ({
        %run_scoped3A = tpu.sem_alloc : memref<!tpu.dma_semaphore, #tpu.memory_space<semaphore_mem>>
        %dma_start3A = arith.constant 0 : i32
        %dma_start3A_73 = arith.constant 0 : i32
        %dma_start3A_74 = tpu.memref_slice %arg6[%dma_start3A, %dma_start3A_73] : memref<97x128xi32, #tpu.memory_space<vmem>> -> memref<97x128xi32, #tpu.memory_space<vmem>>
        %dma_start3A_75 = arith.constant 0 : i32
        %dma_start3A_76 = arith.constant 0 : i32
        %dma_start3A_77 = tpu.memref_slice %arg2[%arg1, %dma_start3A_75, %dma_start3A_76] : memref<16x97x128xi32, #tpu.memory_space<hbm>> -> memref<1x97x128xi32, #tpu.memory_space<hbm>>
        %dma_start3A_78 = tpu.memref_squeeze %dma_start3A_77 : memref<1x97x128xi32, #tpu.memory_space<hbm>> -> memref<97x128xi32, #tpu.memory_space<hbm>>
        %dma_start3A_79 = arith.constant 0 : i32
        %dma_start3A_80 = arith.constant 0 : i32
        %dma_start3A_81 = tpu.memref_slice %arg6[%dma_start3A_79, %dma_start3A_80] : memref<97x128xi32, #tpu.memory_space<vmem>> -> memref<97x128xi32, #tpu.memory_space<vmem>>
        %dma_start3A_82 = arith.constant 0 : i32
        %dma_start3A_83 = arith.constant 0 : i32
        %dma_start3A_84 = tpu.memref_slice %arg2[%arg1, %dma_start3A_82, %dma_start3A_83] : memref<16x97x128xi32, #tpu.memory_space<hbm>> -> memref<1x97x128xi32, #tpu.memory_space<hbm>>
        %dma_start3A_85 = tpu.memref_squeeze %dma_start3A_84 : memref<1x97x128xi32, #tpu.memory_space<hbm>> -> memref<97x128xi32, #tpu.memory_space<hbm>>
        tpu.enqueue_dma source(%dma_start3A_85 : memref<97x128xi32, #tpu.memory_space<hbm>>) target(%dma_start3A_81 : memref<97x128xi32, #tpu.memory_space<vmem>>) target_semaphore(%run_scoped3A : memref<!tpu.dma_semaphore, #tpu.memory_space<semaphore_mem>>)
        %dma_wait3A = arith.constant 0 : i32
        %dma_wait3A_86 = arith.constant 0 : i32
        %dma_wait3A_87 = tpu.memref_slice %arg6[%dma_wait3A, %dma_wait3A_86] : memref<97x128xi32, #tpu.memory_space<vmem>> -> memref<97x128xi32, #tpu.memory_space<vmem>>
        %dma_wait3A_88 = arith.constant 0 : i32
        %dma_wait3A_89 = arith.constant 0 : i32
        %dma_wait3A_90 = tpu.memref_slice %arg2[%arg1, %dma_wait3A_88, %dma_wait3A_89] : memref<16x97x128xi32, #tpu.memory_space<hbm>> -> memref<1x97x128xi32, #tpu.memory_space<hbm>>
        %dma_wait3A_91 = tpu.memref_squeeze %dma_wait3A_90 : memref<1x97x128xi32, #tpu.memory_space<hbm>> -> memref<97x128xi32, #tpu.memory_space<hbm>>
        %dma_wait3A_92 = arith.constant 0 : i32
        %dma_wait3A_93 = arith.constant 0 : i32
        %dma_wait3A_94 = tpu.memref_slice %arg6[%dma_wait3A_92, %dma_wait3A_93] : memref<97x128xi32, #tpu.memory_space<vmem>> -> memref<97x128xi32, #tpu.memory_space<vmem>>
        %dma_wait3A_95 = arith.constant 0 : i32
        %dma_wait3A_96 = arith.constant 0 : i32
        %dma_wait3A_97 = tpu.memref_slice %arg2[%arg1, %dma_wait3A_95, %dma_wait3A_96] : memref<16x97x128xi32, #tpu.memory_space<hbm>> -> memref<1x97x128xi32, #tpu.memory_space<hbm>>
        %dma_wait3A_98 = tpu.memref_squeeze %dma_wait3A_97 : memref<1x97x128xi32, #tpu.memory_space<hbm>> -> memref<97x128xi32, #tpu.memory_space<hbm>>
        tpu.wait_dma2 semaphore(%run_scoped3A : memref<!tpu.dma_semaphore, #tpu.memory_space<semaphore_mem>>) src(%dma_wait3A_98 : memref<97x128xi32, #tpu.memory_space<hbm>>) dst(%dma_wait3A_94 : memref<97x128xi32, #tpu.memory_space<vmem>>)
        tpu.yield
      }) : () -> ()
    } else {
    }
    %eq3A_54 = arith.constant 1 : i32
    %eq3A_55 = arith.cmpi eq, %arg0, %eq3A_54 : i32
    %convert_element_type3A_56 = arith.extui %eq3A_55 : i1 to i32
    %cond3A_57 = arith.constant 0 : i32
    %cond3A_58 = arith.cmpi ne, %convert_element_type3A_56, %cond3A_57 : i32
    scf.if %cond3A_58 {
      "tpu.region"() ({
        %run_scoped3A = tpu.sem_alloc : memref<!tpu.dma_semaphore, #tpu.memory_space<semaphore_mem>>
        %dma_start3A = arith.constant 0 : i32
        %dma_start3A_73 = arith.constant 0 : i32
        %dma_start3A_74 = tpu.memref_slice %arg6[%dma_start3A, %dma_start3A_73] : memref<97x128xi32, #tpu.memory_space<vmem>> -> memref<60x128xi32, #tpu.memory_space<vmem>>
        %dma_start3A_75 = arith.constant 0 : i32
        %dma_start3A_76 = arith.constant 0 : i32
        %dma_start3A_77 = tpu.memref_slice %arg3[%arg1, %dma_start3A_75, %dma_start3A_76] : memref<16x60x128xi32, #tpu.memory_space<hbm>> -> memref<1x60x128xi32, #tpu.memory_space<hbm>>
        %dma_start3A_78 = tpu.memref_squeeze %dma_start3A_77 : memref<1x60x128xi32, #tpu.memory_space<hbm>> -> memref<60x128xi32, #tpu.memory_space<hbm>>
        %dma_start3A_79 = arith.constant 0 : i32
        %dma_start3A_80 = arith.constant 0 : i32
        %dma_start3A_81 = tpu.memref_slice %arg6[%dma_start3A_79, %dma_start3A_80] : memref<97x128xi32, #tpu.memory_space<vmem>> -> memref<60x128xi32, #tpu.memory_space<vmem>>
        %dma_start3A_82 = arith.constant 0 : i32
        %dma_start3A_83 = arith.constant 0 : i32
        %dma_start3A_84 = tpu.memref_slice %arg3[%arg1, %dma_start3A_82, %dma_start3A_83] : memref<16x60x128xi32, #tpu.memory_space<hbm>> -> memref<1x60x128xi32, #tpu.memory_space<hbm>>
        %dma_start3A_85 = tpu.memref_squeeze %dma_start3A_84 : memref<1x60x128xi32, #tpu.memory_space<hbm>> -> memref<60x128xi32, #tpu.memory_space<hbm>>
        tpu.enqueue_dma source(%dma_start3A_85 : memref<60x128xi32, #tpu.memory_space<hbm>>) target(%dma_start3A_81 : memref<60x128xi32, #tpu.memory_space<vmem>>) target_semaphore(%run_scoped3A : memref<!tpu.dma_semaphore, #tpu.memory_space<semaphore_mem>>)
        %dma_wait3A = arith.constant 0 : i32
        %dma_wait3A_86 = arith.constant 0 : i32
        %dma_wait3A_87 = tpu.memref_slice %arg6[%dma_wait3A, %dma_wait3A_86] : memref<97x128xi32, #tpu.memory_space<vmem>> -> memref<60x128xi32, #tpu.memory_space<vmem>>
        %dma_wait3A_88 = arith.constant 0 : i32
        %dma_wait3A_89 = arith.constant 0 : i32
        %dma_wait3A_90 = tpu.memref_slice %arg3[%arg1, %dma_wait3A_88, %dma_wait3A_89] : memref<16x60x128xi32, #tpu.memory_space<hbm>> -> memref<1x60x128xi32, #tpu.memory_space<hbm>>
        %dma_wait3A_91 = tpu.memref_squeeze %dma_wait3A_90 : memref<1x60x128xi32, #tpu.memory_space<hbm>> -> memref<60x128xi32, #tpu.memory_space<hbm>>
        %dma_wait3A_92 = arith.constant 0 : i32
        %dma_wait3A_93 = arith.constant 0 : i32
        %dma_wait3A_94 = tpu.memref_slice %arg6[%dma_wait3A_92, %dma_wait3A_93] : memref<97x128xi32, #tpu.memory_space<vmem>> -> memref<60x128xi32, #tpu.memory_space<vmem>>
        %dma_wait3A_95 = arith.constant 0 : i32
        %dma_wait3A_96 = arith.constant 0 : i32
        %dma_wait3A_97 = tpu.memref_slice %arg3[%arg1, %dma_wait3A_95, %dma_wait3A_96] : memref<16x60x128xi32, #tpu.memory_space<hbm>> -> memref<1x60x128xi32, #tpu.memory_space<hbm>>
        %dma_wait3A_98 = tpu.memref_squeeze %dma_wait3A_97 : memref<1x60x128xi32, #tpu.memory_space<hbm>> -> memref<60x128xi32, #tpu.memory_space<hbm>>
        tpu.wait_dma2 semaphore(%run_scoped3A : memref<!tpu.dma_semaphore, #tpu.memory_space<semaphore_mem>>) src(%dma_wait3A_98 : memref<60x128xi32, #tpu.memory_space<hbm>>) dst(%dma_wait3A_94 : memref<60x128xi32, #tpu.memory_space<vmem>>)
        tpu.yield
      }) : () -> ()
    } else {
    }
    %barrier3A = arith.constant 0 : index
    tpu.barrier barrier_id(%barrier3A)
    %while3A = arith.constant 0 : i32
    %while3A_59 = arith.constant 0 : i32
    %while3A_60 = arith.subi %select_n3A, %while3A_59 : i32
    %while3A_61 = arith.addi %while3A_59, %while3A_60 : i32
    %while3A_62 = arith.constant 1 : i32
    %while3A_63 = arith.divsi %while3A_60, %while3A_62 : i32
    %while3A_64 = arith.muli %while3A_63, %while3A_62 : i32
    %while3A_65 = arith.addi %while3A_59, %while3A_64 : i32
    %while3A_66 = arith.constant 1 : i32
    scf.for %while3A_73 = %while3A_59 to %while3A_65 step %while3A_66  : i32 {
      "tpu.region"() ({
        %run_scoped3A = tpu.sem_alloc : memref<!tpu.dma_semaphore, #tpu.memory_space<semaphore_mem>>
        %dma_start3A = arith.constant 0 : i32
        %dma_start3A_74 = tpu.memref_slice %arg6[%while3A_73, %dma_start3A] : memref<97x128xi32, #tpu.memory_space<vmem>> -> memref<1x128xi32, #tpu.memory_space<vmem>>
        %dma_start3A_75 = tpu.memref_squeeze %dma_start3A_74 : memref<1x128xi32, #tpu.memory_space<vmem>> -> memref<128xi32, #tpu.memory_space<vmem>>
        %dma_start3A_76 = arith.constant 0 : i32
        %dma_start3A_77 = tpu.memref_slice %arg8[%dma_start3A_76] : memref<10240xf32, #tpu.memory_space<vmem_shared>> -> memref<10240xf32, #tpu.memory_space<vmem_shared>>
        tpu.enqueue_indirect_dma source(%arg7 : memref<128xf32, #tpu.memory_space<vmem>>) target(%dma_start3A_77 : memref<10240xf32, #tpu.memory_space<vmem_shared>>) offsets(%dma_start3A_75 : memref<128xi32, #tpu.memory_space<vmem>>) semaphore(%run_scoped3A : memref<!tpu.dma_semaphore, #tpu.memory_space<semaphore_mem>>) {add = true}
        %dma_wait3A = arith.constant 0 : i32
        %dma_wait3A_78 = tpu.memref_slice %arg6[%while3A_73, %dma_wait3A] : memref<97x128xi32, #tpu.memory_space<vmem>> -> memref<1x128xi32, #tpu.memory_space<vmem>>
        %dma_wait3A_79 = tpu.memref_squeeze %dma_wait3A_78 : memref<1x128xi32, #tpu.memory_space<vmem>> -> memref<128xi32, #tpu.memory_space<vmem>>
        %dma_wait3A_80 = arith.constant 0 : i32
        %dma_wait3A_81 = tpu.memref_slice %arg8[%dma_wait3A_80] : memref<10240xf32, #tpu.memory_space<vmem_shared>> -> memref<10240xf32, #tpu.memory_space<vmem_shared>>
        tpu.wait_indirect_dma semaphore(%run_scoped3A : memref<!tpu.dma_semaphore, #tpu.memory_space<semaphore_mem>>) src(%arg7 : memref<128xf32, #tpu.memory_space<vmem>>) dst(%dma_wait3A_81 : memref<10240xf32, #tpu.memory_space<vmem_shared>>)
        tpu.yield
      }) : () -> ()
    }
    %while3A_67 = arith.constant 1 : i32
    scf.for %while3A_73 = %while3A_65 to %while3A_61 step %while3A_67  : i32 {
      "tpu.region"() ({
        %run_scoped3A = tpu.sem_alloc : memref<!tpu.dma_semaphore, #tpu.memory_space<semaphore_mem>>
        %dma_start3A = arith.constant 0 : i32
        %dma_start3A_74 = tpu.memref_slice %arg6[%while3A_73, %dma_start3A] : memref<97x128xi32, #tpu.memory_space<vmem>> -> memref<1x128xi32, #tpu.memory_space<vmem>>
        %dma_start3A_75 = tpu.memref_squeeze %dma_start3A_74 : memref<1x128xi32, #tpu.memory_space<vmem>> -> memref<128xi32, #tpu.memory_space<vmem>>
        %dma_start3A_76 = arith.constant 0 : i32
        %dma_start3A_77 = tpu.memref_slice %arg8[%dma_start3A_76] : memref<10240xf32, #tpu.memory_space<vmem_shared>> -> memref<10240xf32, #tpu.memory_space<vmem_shared>>
        tpu.enqueue_indirect_dma source(%arg7 : memref<128xf32, #tpu.memory_space<vmem>>) target(%dma_start3A_77 : memref<10240xf32, #tpu.memory_space<vmem_shared>>) offsets(%dma_start3A_75 : memref<128xi32, #tpu.memory_space<vmem>>) semaphore(%run_scoped3A : memref<!tpu.dma_semaphore, #tpu.memory_space<semaphore_mem>>) {add = true}
        %dma_wait3A = arith.constant 0 : i32
        %dma_wait3A_78 = tpu.memref_slice %arg6[%while3A_73, %dma_wait3A] : memref<97x128xi32, #tpu.memory_space<vmem>> -> memref<1x128xi32, #tpu.memory_space<vmem>>
        %dma_wait3A_79 = tpu.memref_squeeze %dma_wait3A_78 : memref<1x128xi32, #tpu.memory_space<vmem>> -> memref<128xi32, #tpu.memory_space<vmem>>
        %dma_wait3A_80 = arith.constant 0 : i32
        %dma_wait3A_81 = tpu.memref_slice %arg8[%dma_wait3A_80] : memref<10240xf32, #tpu.memory_space<vmem_shared>> -> memref<10240xf32, #tpu.memory_space<vmem_shared>>
        tpu.wait_indirect_dma semaphore(%run_scoped3A : memref<!tpu.dma_semaphore, #tpu.memory_space<semaphore_mem>>) src(%arg7 : memref<128xf32, #tpu.memory_space<vmem>>) dst(%dma_wait3A_81 : memref<10240xf32, #tpu.memory_space<vmem_shared>>)
        tpu.yield
      }) : () -> ()
    }
    %barrier3A_68 = arith.constant 0 : index
    tpu.barrier barrier_id(%barrier3A_68)
    %mul3A_69 = arith.constant 640 : i32
    %mul3A_70 = arith.muli %arg1, %mul3A_69 : i32
    %mul3A_71 = arith.constant 640 : i32
    %mul3A_72 = arith.muli %arg1, %mul3A_71 : i32
    "tpu.region"() ({
      %run_scoped3A = tpu.sem_alloc : memref<!tpu.dma_semaphore, #tpu.memory_space<semaphore_mem>>
      %dma_start3A = tpu.memref_slice %arg5[%arg0, %mul3A_72] : memref<2x10240xf32, #tpu.memory_space<hbm>> -> memref<1x640xf32, #tpu.memory_space<hbm>>
      %dma_start3A_73 = tpu.memref_squeeze %dma_start3A : memref<1x640xf32, #tpu.memory_space<hbm>> -> memref<640xf32, #tpu.memory_space<hbm>>
      %dma_start3A_74 = tpu.memref_slice %arg8[%mul3A_70] : memref<10240xf32, #tpu.memory_space<vmem_shared>> -> memref<640xf32, #tpu.memory_space<vmem_shared>>
      tpu.enqueue_dma source(%dma_start3A_74 : memref<640xf32, #tpu.memory_space<vmem_shared>>) target(%dma_start3A_73 : memref<640xf32, #tpu.memory_space<hbm>>) target_semaphore(%run_scoped3A : memref<!tpu.dma_semaphore, #tpu.memory_space<semaphore_mem>>)
      %dma_wait3A = tpu.memref_slice %arg5[%arg0, %mul3A_72] : memref<2x10240xf32, #tpu.memory_space<hbm>> -> memref<1x640xf32, #tpu.memory_space<hbm>>
      %dma_wait3A_75 = tpu.memref_squeeze %dma_wait3A : memref<1x640xf32, #tpu.memory_space<hbm>> -> memref<640xf32, #tpu.memory_space<hbm>>
      %dma_wait3A_76 = tpu.memref_slice %arg8[%mul3A_70] : memref<10240xf32, #tpu.memory_space<vmem_shared>> -> memref<640xf32, #tpu.memory_space<vmem_shared>>
      tpu.wait_dma2 semaphore(%run_scoped3A : memref<!tpu.dma_semaphore, #tpu.memory_space<semaphore_mem>>) src(%dma_wait3A_76 : memref<640xf32, #tpu.memory_space<vmem_shared>>) dst(%dma_wait3A_75 : memref<640xf32, #tpu.memory_space<hbm>>)
      tpu.yield
    }) : () -> ()
    return
  }
}

#map = affine_map<(d0, d1) -> (0, 0)>
#map1 = affine_map<(d0, d1) -> (0, 0, 0)>
#map2 = affine_map<(d0, d1) -> (0)>
module attributes {stable_mosaic.version = 14 : i64} {
  func.func @k(%arg0: i32, %arg1: i32, %arg2: memref<10240x128xf32, #tpu.memory_space<hbm>>, %arg3: memref<16x97x128xi32, #tpu.memory_space<hbm>>, %arg4: memref<16x97x128xi32, #tpu.memory_space<hbm>>, %arg5: memref<16x60x128xi32, #tpu.memory_space<hbm>>, %arg6: memref<16x60x128xi32, #tpu.memory_space<hbm>>, %arg7: memref<10240xf32, #tpu.memory_space<hbm>>, %arg8: memref<10240x128xf32, #tpu.memory_space<hbm>>, %arg9: memref<10240xf32, #tpu.memory_space<hbm>>, %arg10: memref<2x10240x128xf32, #tpu.memory_space<hbm>>, %arg11: memref<2x10240xf32, #tpu.memory_space<hbm>>, %arg12: memref<97x128xi32, #tpu.memory_space<vmem>>, %arg13: memref<97x128xi32, #tpu.memory_space<vmem>>, %arg14: memref<128x128xf32, #tpu.memory_space<vmem>>, %arg15: memref<10240x128xf32, #tpu.memory_space<vmem_shared>>, %arg16: memref<!tpu.dma_semaphore, #tpu.memory_space<semaphore_mem>>, %arg17: memref<128xf32, #tpu.memory_space<vmem>>, %arg18: memref<10240xf32, #tpu.memory_space<vmem_shared>>, %arg19: memref<!tpu.dma_semaphore, #tpu.memory_space<semaphore_mem>>) attributes {dimension_semantics = [#tpu.dimension_semantics<core_parallel>, #tpu.dimension_semantics<subcore_parallel>], iteration_bounds = array<i64: 2, 16>, scalar_prefetch = 0 : i64, scratch_operands = 8 : i64, tpu.core_type = #tpu.core_type<sc_vector_subcore>, window_params = [{transform_indices = #map}, {transform_indices = #map1}, {transform_indices = #map1}, {transform_indices = #map1}, {transform_indices = #map1}, {transform_indices = #map2}, {transform_indices = #map}, {transform_indices = #map2}, {transform_indices = #map1}, {transform_indices = #map}]} {
    %eq3A = arith.constant 0 : i32
    %eq3A_0 = arith.cmpi eq, %arg0, %eq3A : i32
    %jit3A = arith.constant 97 : i32
    %jit3A_1 = arith.constant 60 : i32
    %select_n3A = arith.select %eq3A_0, %jit3A, %jit3A_1 : i32
    %mul3A = arith.constant 640 : i32
    %mul3A_2 = arith.muli %arg1, %mul3A : i32
    %mul3A_3 = arith.constant 640 : i32
    %mul3A_4 = arith.muli %arg1, %mul3A_3 : i32
    "tpu.region"() ({
      %run_scoped3A = tpu.sem_alloc : memref<!tpu.dma_semaphore, #tpu.memory_space<semaphore_mem>>
      %dma_start3A = arith.constant 0 : i32
      %dma_start3A_35 = tpu.memref_slice %arg15[%mul3A_4, %dma_start3A] : memref<10240x128xf32, #tpu.memory_space<vmem_shared>> -> memref<640x128xf32, #tpu.memory_space<vmem_shared>>
      %dma_start3A_36 = arith.constant 0 : i32
      %dma_start3A_37 = tpu.memref_slice %arg8[%mul3A_2, %dma_start3A_36] : memref<10240x128xf32, #tpu.memory_space<hbm>> -> memref<640x128xf32, #tpu.memory_space<hbm>>
      tpu.enqueue_dma source(%dma_start3A_37 : memref<640x128xf32, #tpu.memory_space<hbm>>) target(%dma_start3A_35 : memref<640x128xf32, #tpu.memory_space<vmem_shared>>) target_semaphore(%run_scoped3A : memref<!tpu.dma_semaphore, #tpu.memory_space<semaphore_mem>>)
      %dma_wait3A = arith.constant 0 : i32
      %dma_wait3A_38 = tpu.memref_slice %arg15[%mul3A_4, %dma_wait3A] : memref<10240x128xf32, #tpu.memory_space<vmem_shared>> -> memref<640x128xf32, #tpu.memory_space<vmem_shared>>
      %dma_wait3A_39 = arith.constant 0 : i32
      %dma_wait3A_40 = tpu.memref_slice %arg8[%mul3A_2, %dma_wait3A_39] : memref<10240x128xf32, #tpu.memory_space<hbm>> -> memref<640x128xf32, #tpu.memory_space<hbm>>
      tpu.wait_dma2 semaphore(%run_scoped3A : memref<!tpu.dma_semaphore, #tpu.memory_space<semaphore_mem>>) src(%dma_wait3A_40 : memref<640x128xf32, #tpu.memory_space<hbm>>) dst(%dma_wait3A_38 : memref<640x128xf32, #tpu.memory_space<vmem_shared>>)
      tpu.yield
    }) : () -> ()
    %mul3A_5 = arith.constant 640 : i32
    %mul3A_6 = arith.muli %arg1, %mul3A_5 : i32
    %mul3A_7 = arith.constant 640 : i32
    %mul3A_8 = arith.muli %arg1, %mul3A_7 : i32
    "tpu.region"() ({
      %run_scoped3A = tpu.sem_alloc : memref<!tpu.dma_semaphore, #tpu.memory_space<semaphore_mem>>
      %dma_start3A = tpu.memref_slice %arg18[%mul3A_8] : memref<10240xf32, #tpu.memory_space<vmem_shared>> -> memref<640xf32, #tpu.memory_space<vmem_shared>>
      %dma_start3A_35 = tpu.memref_slice %arg9[%mul3A_6] : memref<10240xf32, #tpu.memory_space<hbm>> -> memref<640xf32, #tpu.memory_space<hbm>>
      tpu.enqueue_dma source(%dma_start3A_35 : memref<640xf32, #tpu.memory_space<hbm>>) target(%dma_start3A : memref<640xf32, #tpu.memory_space<vmem_shared>>) target_semaphore(%run_scoped3A : memref<!tpu.dma_semaphore, #tpu.memory_space<semaphore_mem>>)
      %dma_wait3A = tpu.memref_slice %arg18[%mul3A_8] : memref<10240xf32, #tpu.memory_space<vmem_shared>> -> memref<640xf32, #tpu.memory_space<vmem_shared>>
      %dma_wait3A_36 = tpu.memref_slice %arg9[%mul3A_6] : memref<10240xf32, #tpu.memory_space<hbm>> -> memref<640xf32, #tpu.memory_space<hbm>>
      tpu.wait_dma2 semaphore(%run_scoped3A : memref<!tpu.dma_semaphore, #tpu.memory_space<semaphore_mem>>) src(%dma_wait3A_36 : memref<640xf32, #tpu.memory_space<hbm>>) dst(%dma_wait3A : memref<640xf32, #tpu.memory_space<vmem_shared>>)
      tpu.yield
    }) : () -> ()
    %eq3A_9 = arith.constant 0 : i32
    %eq3A_10 = arith.cmpi eq, %arg0, %eq3A_9 : i32
    %convert_element_type3A = arith.extui %eq3A_10 : i1 to i32
    %cond3A = arith.constant 0 : i32
    %cond3A_11 = arith.cmpi ne, %convert_element_type3A, %cond3A : i32
    scf.if %cond3A_11 {
      "tpu.region"() ({
        %run_scoped3A = tpu.sem_alloc : memref<!tpu.dma_semaphore, #tpu.memory_space<semaphore_mem>>
        %dma_start3A = arith.constant 0 : i32
        %dma_start3A_35 = arith.constant 0 : i32
        %dma_start3A_36 = tpu.memref_slice %arg12[%dma_start3A, %dma_start3A_35] : memref<97x128xi32, #tpu.memory_space<vmem>> -> memref<97x128xi32, #tpu.memory_space<vmem>>
        %dma_start3A_37 = arith.constant 0 : i32
        %dma_start3A_38 = arith.constant 0 : i32
        %dma_start3A_39 = tpu.memref_slice %arg3[%arg1, %dma_start3A_37, %dma_start3A_38] : memref<16x97x128xi32, #tpu.memory_space<hbm>> -> memref<1x97x128xi32, #tpu.memory_space<hbm>>
        %dma_start3A_40 = tpu.memref_squeeze %dma_start3A_39 : memref<1x97x128xi32, #tpu.memory_space<hbm>> -> memref<97x128xi32, #tpu.memory_space<hbm>>
        %dma_start3A_41 = arith.constant 0 : i32
        %dma_start3A_42 = arith.constant 0 : i32
        %dma_start3A_43 = tpu.memref_slice %arg12[%dma_start3A_41, %dma_start3A_42] : memref<97x128xi32, #tpu.memory_space<vmem>> -> memref<97x128xi32, #tpu.memory_space<vmem>>
        %dma_start3A_44 = arith.constant 0 : i32
        %dma_start3A_45 = arith.constant 0 : i32
        %dma_start3A_46 = tpu.memref_slice %arg3[%arg1, %dma_start3A_44, %dma_start3A_45] : memref<16x97x128xi32, #tpu.memory_space<hbm>> -> memref<1x97x128xi32, #tpu.memory_space<hbm>>
        %dma_start3A_47 = tpu.memref_squeeze %dma_start3A_46 : memref<1x97x128xi32, #tpu.memory_space<hbm>> -> memref<97x128xi32, #tpu.memory_space<hbm>>
        tpu.enqueue_dma source(%dma_start3A_47 : memref<97x128xi32, #tpu.memory_space<hbm>>) target(%dma_start3A_43 : memref<97x128xi32, #tpu.memory_space<vmem>>) target_semaphore(%run_scoped3A : memref<!tpu.dma_semaphore, #tpu.memory_space<semaphore_mem>>)
        %dma_wait3A = arith.constant 0 : i32
        %dma_wait3A_48 = arith.constant 0 : i32
        %dma_wait3A_49 = tpu.memref_slice %arg12[%dma_wait3A, %dma_wait3A_48] : memref<97x128xi32, #tpu.memory_space<vmem>> -> memref<97x128xi32, #tpu.memory_space<vmem>>
        %dma_wait3A_50 = arith.constant 0 : i32
        %dma_wait3A_51 = arith.constant 0 : i32
        %dma_wait3A_52 = tpu.memref_slice %arg3[%arg1, %dma_wait3A_50, %dma_wait3A_51] : memref<16x97x128xi32, #tpu.memory_space<hbm>> -> memref<1x97x128xi32, #tpu.memory_space<hbm>>
        %dma_wait3A_53 = tpu.memref_squeeze %dma_wait3A_52 : memref<1x97x128xi32, #tpu.memory_space<hbm>> -> memref<97x128xi32, #tpu.memory_space<hbm>>
        %dma_wait3A_54 = arith.constant 0 : i32
        %dma_wait3A_55 = arith.constant 0 : i32
        %dma_wait3A_56 = tpu.memref_slice %arg12[%dma_wait3A_54, %dma_wait3A_55] : memref<97x128xi32, #tpu.memory_space<vmem>> -> memref<97x128xi32, #tpu.memory_space<vmem>>
        %dma_wait3A_57 = arith.constant 0 : i32
        %dma_wait3A_58 = arith.constant 0 : i32
        %dma_wait3A_59 = tpu.memref_slice %arg3[%arg1, %dma_wait3A_57, %dma_wait3A_58] : memref<16x97x128xi32, #tpu.memory_space<hbm>> -> memref<1x97x128xi32, #tpu.memory_space<hbm>>
        %dma_wait3A_60 = tpu.memref_squeeze %dma_wait3A_59 : memref<1x97x128xi32, #tpu.memory_space<hbm>> -> memref<97x128xi32, #tpu.memory_space<hbm>>
        tpu.wait_dma2 semaphore(%run_scoped3A : memref<!tpu.dma_semaphore, #tpu.memory_space<semaphore_mem>>) src(%dma_wait3A_60 : memref<97x128xi32, #tpu.memory_space<hbm>>) dst(%dma_wait3A_56 : memref<97x128xi32, #tpu.memory_space<vmem>>)
        tpu.yield
      }) : () -> ()
      "tpu.region"() ({
        %run_scoped3A = tpu.sem_alloc : memref<!tpu.dma_semaphore, #tpu.memory_space<semaphore_mem>>
        %dma_start3A = arith.constant 0 : i32
        %dma_start3A_35 = arith.constant 0 : i32
        %dma_start3A_36 = tpu.memref_slice %arg13[%dma_start3A, %dma_start3A_35] : memref<97x128xi32, #tpu.memory_space<vmem>> -> memref<97x128xi32, #tpu.memory_space<vmem>>
        %dma_start3A_37 = arith.constant 0 : i32
        %dma_start3A_38 = arith.constant 0 : i32
        %dma_start3A_39 = tpu.memref_slice %arg4[%arg1, %dma_start3A_37, %dma_start3A_38] : memref<16x97x128xi32, #tpu.memory_space<hbm>> -> memref<1x97x128xi32, #tpu.memory_space<hbm>>
        %dma_start3A_40 = tpu.memref_squeeze %dma_start3A_39 : memref<1x97x128xi32, #tpu.memory_space<hbm>> -> memref<97x128xi32, #tpu.memory_space<hbm>>
        %dma_start3A_41 = arith.constant 0 : i32
        %dma_start3A_42 = arith.constant 0 : i32
        %dma_start3A_43 = tpu.memref_slice %arg13[%dma_start3A_41, %dma_start3A_42] : memref<97x128xi32, #tpu.memory_space<vmem>> -> memref<97x128xi32, #tpu.memory_space<vmem>>
        %dma_start3A_44 = arith.constant 0 : i32
        %dma_start3A_45 = arith.constant 0 : i32
        %dma_start3A_46 = tpu.memref_slice %arg4[%arg1, %dma_start3A_44, %dma_start3A_45] : memref<16x97x128xi32, #tpu.memory_space<hbm>> -> memref<1x97x128xi32, #tpu.memory_space<hbm>>
        %dma_start3A_47 = tpu.memref_squeeze %dma_start3A_46 : memref<1x97x128xi32, #tpu.memory_space<hbm>> -> memref<97x128xi32, #tpu.memory_space<hbm>>
        tpu.enqueue_dma source(%dma_start3A_47 : memref<97x128xi32, #tpu.memory_space<hbm>>) target(%dma_start3A_43 : memref<97x128xi32, #tpu.memory_space<vmem>>) target_semaphore(%run_scoped3A : memref<!tpu.dma_semaphore, #tpu.memory_space<semaphore_mem>>)
        %dma_wait3A = arith.constant 0 : i32
        %dma_wait3A_48 = arith.constant 0 : i32
        %dma_wait3A_49 = tpu.memref_slice %arg13[%dma_wait3A, %dma_wait3A_48] : memref<97x128xi32, #tpu.memory_space<vmem>> -> memref<97x128xi32, #tpu.memory_space<vmem>>
        %dma_wait3A_50 = arith.constant 0 : i32
        %dma_wait3A_51 = arith.constant 0 : i32
        %dma_wait3A_52 = tpu.memref_slice %arg4[%arg1, %dma_wait3A_50, %dma_wait3A_51] : memref<16x97x128xi32, #tpu.memory_space<hbm>> -> memref<1x97x128xi32, #tpu.memory_space<hbm>>
        %dma_wait3A_53 = tpu.memref_squeeze %dma_wait3A_52 : memref<1x97x128xi32, #tpu.memory_space<hbm>> -> memref<97x128xi32, #tpu.memory_space<hbm>>
        %dma_wait3A_54 = arith.constant 0 : i32
        %dma_wait3A_55 = arith.constant 0 : i32
        %dma_wait3A_56 = tpu.memref_slice %arg13[%dma_wait3A_54, %dma_wait3A_55] : memref<97x128xi32, #tpu.memory_space<vmem>> -> memref<97x128xi32, #tpu.memory_space<vmem>>
        %dma_wait3A_57 = arith.constant 0 : i32
        %dma_wait3A_58 = arith.constant 0 : i32
        %dma_wait3A_59 = tpu.memref_slice %arg4[%arg1, %dma_wait3A_57, %dma_wait3A_58] : memref<16x97x128xi32, #tpu.memory_space<hbm>> -> memref<1x97x128xi32, #tpu.memory_space<hbm>>
        %dma_wait3A_60 = tpu.memref_squeeze %dma_wait3A_59 : memref<1x97x128xi32, #tpu.memory_space<hbm>> -> memref<97x128xi32, #tpu.memory_space<hbm>>
        tpu.wait_dma2 semaphore(%run_scoped3A : memref<!tpu.dma_semaphore, #tpu.memory_space<semaphore_mem>>) src(%dma_wait3A_60 : memref<97x128xi32, #tpu.memory_space<hbm>>) dst(%dma_wait3A_56 : memref<97x128xi32, #tpu.memory_space<vmem>>)
        tpu.yield
      }) : () -> ()
    } else {
    }
    %eq3A_12 = arith.constant 1 : i32
    %eq3A_13 = arith.cmpi eq, %arg0, %eq3A_12 : i32
    %convert_element_type3A_14 = arith.extui %eq3A_13 : i1 to i32
    %cond3A_15 = arith.constant 0 : i32
    %cond3A_16 = arith.cmpi ne, %convert_element_type3A_14, %cond3A_15 : i32
    scf.if %cond3A_16 {
      "tpu.region"() ({
        %run_scoped3A = tpu.sem_alloc : memref<!tpu.dma_semaphore, #tpu.memory_space<semaphore_mem>>
        %dma_start3A = arith.constant 0 : i32
        %dma_start3A_35 = arith.constant 0 : i32
        %dma_start3A_36 = tpu.memref_slice %arg12[%dma_start3A, %dma_start3A_35] : memref<97x128xi32, #tpu.memory_space<vmem>> -> memref<60x128xi32, #tpu.memory_space<vmem>>
        %dma_start3A_37 = arith.constant 0 : i32
        %dma_start3A_38 = arith.constant 0 : i32
        %dma_start3A_39 = tpu.memref_slice %arg5[%arg1, %dma_start3A_37, %dma_start3A_38] : memref<16x60x128xi32, #tpu.memory_space<hbm>> -> memref<1x60x128xi32, #tpu.memory_space<hbm>>
        %dma_start3A_40 = tpu.memref_squeeze %dma_start3A_39 : memref<1x60x128xi32, #tpu.memory_space<hbm>> -> memref<60x128xi32, #tpu.memory_space<hbm>>
        %dma_start3A_41 = arith.constant 0 : i32
        %dma_start3A_42 = arith.constant 0 : i32
        %dma_start3A_43 = tpu.memref_slice %arg12[%dma_start3A_41, %dma_start3A_42] : memref<97x128xi32, #tpu.memory_space<vmem>> -> memref<60x128xi32, #tpu.memory_space<vmem>>
        %dma_start3A_44 = arith.constant 0 : i32
        %dma_start3A_45 = arith.constant 0 : i32
        %dma_start3A_46 = tpu.memref_slice %arg5[%arg1, %dma_start3A_44, %dma_start3A_45] : memref<16x60x128xi32, #tpu.memory_space<hbm>> -> memref<1x60x128xi32, #tpu.memory_space<hbm>>
        %dma_start3A_47 = tpu.memref_squeeze %dma_start3A_46 : memref<1x60x128xi32, #tpu.memory_space<hbm>> -> memref<60x128xi32, #tpu.memory_space<hbm>>
        tpu.enqueue_dma source(%dma_start3A_47 : memref<60x128xi32, #tpu.memory_space<hbm>>) target(%dma_start3A_43 : memref<60x128xi32, #tpu.memory_space<vmem>>) target_semaphore(%run_scoped3A : memref<!tpu.dma_semaphore, #tpu.memory_space<semaphore_mem>>)
        %dma_wait3A = arith.constant 0 : i32
        %dma_wait3A_48 = arith.constant 0 : i32
        %dma_wait3A_49 = tpu.memref_slice %arg12[%dma_wait3A, %dma_wait3A_48] : memref<97x128xi32, #tpu.memory_space<vmem>> -> memref<60x128xi32, #tpu.memory_space<vmem>>
        %dma_wait3A_50 = arith.constant 0 : i32
        %dma_wait3A_51 = arith.constant 0 : i32
        %dma_wait3A_52 = tpu.memref_slice %arg5[%arg1, %dma_wait3A_50, %dma_wait3A_51] : memref<16x60x128xi32, #tpu.memory_space<hbm>> -> memref<1x60x128xi32, #tpu.memory_space<hbm>>
        %dma_wait3A_53 = tpu.memref_squeeze %dma_wait3A_52 : memref<1x60x128xi32, #tpu.memory_space<hbm>> -> memref<60x128xi32, #tpu.memory_space<hbm>>
        %dma_wait3A_54 = arith.constant 0 : i32
        %dma_wait3A_55 = arith.constant 0 : i32
        %dma_wait3A_56 = tpu.memref_slice %arg12[%dma_wait3A_54, %dma_wait3A_55] : memref<97x128xi32, #tpu.memory_space<vmem>> -> memref<60x128xi32, #tpu.memory_space<vmem>>
        %dma_wait3A_57 = arith.constant 0 : i32
        %dma_wait3A_58 = arith.constant 0 : i32
        %dma_wait3A_59 = tpu.memref_slice %arg5[%arg1, %dma_wait3A_57, %dma_wait3A_58] : memref<16x60x128xi32, #tpu.memory_space<hbm>> -> memref<1x60x128xi32, #tpu.memory_space<hbm>>
        %dma_wait3A_60 = tpu.memref_squeeze %dma_wait3A_59 : memref<1x60x128xi32, #tpu.memory_space<hbm>> -> memref<60x128xi32, #tpu.memory_space<hbm>>
        tpu.wait_dma2 semaphore(%run_scoped3A : memref<!tpu.dma_semaphore, #tpu.memory_space<semaphore_mem>>) src(%dma_wait3A_60 : memref<60x128xi32, #tpu.memory_space<hbm>>) dst(%dma_wait3A_56 : memref<60x128xi32, #tpu.memory_space<vmem>>)
        tpu.yield
      }) : () -> ()
      "tpu.region"() ({
        %run_scoped3A = tpu.sem_alloc : memref<!tpu.dma_semaphore, #tpu.memory_space<semaphore_mem>>
        %dma_start3A = arith.constant 0 : i32
        %dma_start3A_35 = arith.constant 0 : i32
        %dma_start3A_36 = tpu.memref_slice %arg13[%dma_start3A, %dma_start3A_35] : memref<97x128xi32, #tpu.memory_space<vmem>> -> memref<60x128xi32, #tpu.memory_space<vmem>>
        %dma_start3A_37 = arith.constant 0 : i32
        %dma_start3A_38 = arith.constant 0 : i32
        %dma_start3A_39 = tpu.memref_slice %arg6[%arg1, %dma_start3A_37, %dma_start3A_38] : memref<16x60x128xi32, #tpu.memory_space<hbm>> -> memref<1x60x128xi32, #tpu.memory_space<hbm>>
        %dma_start3A_40 = tpu.memref_squeeze %dma_start3A_39 : memref<1x60x128xi32, #tpu.memory_space<hbm>> -> memref<60x128xi32, #tpu.memory_space<hbm>>
        %dma_start3A_41 = arith.constant 0 : i32
        %dma_start3A_42 = arith.constant 0 : i32
        %dma_start3A_43 = tpu.memref_slice %arg13[%dma_start3A_41, %dma_start3A_42] : memref<97x128xi32, #tpu.memory_space<vmem>> -> memref<60x128xi32, #tpu.memory_space<vmem>>
        %dma_start3A_44 = arith.constant 0 : i32
        %dma_start3A_45 = arith.constant 0 : i32
        %dma_start3A_46 = tpu.memref_slice %arg6[%arg1, %dma_start3A_44, %dma_start3A_45] : memref<16x60x128xi32, #tpu.memory_space<hbm>> -> memref<1x60x128xi32, #tpu.memory_space<hbm>>
        %dma_start3A_47 = tpu.memref_squeeze %dma_start3A_46 : memref<1x60x128xi32, #tpu.memory_space<hbm>> -> memref<60x128xi32, #tpu.memory_space<hbm>>
        tpu.enqueue_dma source(%dma_start3A_47 : memref<60x128xi32, #tpu.memory_space<hbm>>) target(%dma_start3A_43 : memref<60x128xi32, #tpu.memory_space<vmem>>) target_semaphore(%run_scoped3A : memref<!tpu.dma_semaphore, #tpu.memory_space<semaphore_mem>>)
        %dma_wait3A = arith.constant 0 : i32
        %dma_wait3A_48 = arith.constant 0 : i32
        %dma_wait3A_49 = tpu.memref_slice %arg13[%dma_wait3A, %dma_wait3A_48] : memref<97x128xi32, #tpu.memory_space<vmem>> -> memref<60x128xi32, #tpu.memory_space<vmem>>
        %dma_wait3A_50 = arith.constant 0 : i32
        %dma_wait3A_51 = arith.constant 0 : i32
        %dma_wait3A_52 = tpu.memref_slice %arg6[%arg1, %dma_wait3A_50, %dma_wait3A_51] : memref<16x60x128xi32, #tpu.memory_space<hbm>> -> memref<1x60x128xi32, #tpu.memory_space<hbm>>
        %dma_wait3A_53 = tpu.memref_squeeze %dma_wait3A_52 : memref<1x60x128xi32, #tpu.memory_space<hbm>> -> memref<60x128xi32, #tpu.memory_space<hbm>>
        %dma_wait3A_54 = arith.constant 0 : i32
        %dma_wait3A_55 = arith.constant 0 : i32
        %dma_wait3A_56 = tpu.memref_slice %arg13[%dma_wait3A_54, %dma_wait3A_55] : memref<97x128xi32, #tpu.memory_space<vmem>> -> memref<60x128xi32, #tpu.memory_space<vmem>>
        %dma_wait3A_57 = arith.constant 0 : i32
        %dma_wait3A_58 = arith.constant 0 : i32
        %dma_wait3A_59 = tpu.memref_slice %arg6[%arg1, %dma_wait3A_57, %dma_wait3A_58] : memref<16x60x128xi32, #tpu.memory_space<hbm>> -> memref<1x60x128xi32, #tpu.memory_space<hbm>>
        %dma_wait3A_60 = tpu.memref_squeeze %dma_wait3A_59 : memref<1x60x128xi32, #tpu.memory_space<hbm>> -> memref<60x128xi32, #tpu.memory_space<hbm>>
        tpu.wait_dma2 semaphore(%run_scoped3A : memref<!tpu.dma_semaphore, #tpu.memory_space<semaphore_mem>>) src(%dma_wait3A_60 : memref<60x128xi32, #tpu.memory_space<hbm>>) dst(%dma_wait3A_56 : memref<60x128xi32, #tpu.memory_space<vmem>>)
        tpu.yield
      }) : () -> ()
    } else {
    }
    %barrier3A = arith.constant 0 : index
    tpu.barrier barrier_id(%barrier3A)
    %while3A = arith.constant 0 : i32
    %while3A_17 = arith.constant 0 : i32
    %while3A_18 = arith.subi %select_n3A, %while3A_17 : i32
    %while3A_19 = arith.addi %while3A_17, %while3A_18 : i32
    %while3A_20 = arith.constant 1 : i32
    %while3A_21 = arith.divsi %while3A_18, %while3A_20 : i32
    %while3A_22 = arith.muli %while3A_21, %while3A_20 : i32
    %while3A_23 = arith.addi %while3A_17, %while3A_22 : i32
    %while3A_24 = arith.constant 1 : i32
    scf.for %while3A_35 = %while3A_17 to %while3A_23 step %while3A_24  : i32 {
      %dma_start3A = arith.constant 0 : i32
      %dma_start3A_36 = tpu.memref_slice %arg12[%while3A_35, %dma_start3A] : memref<97x128xi32, #tpu.memory_space<vmem>> -> memref<1x128xi32, #tpu.memory_space<vmem>>
      %dma_start3A_37 = tpu.memref_squeeze %dma_start3A_36 : memref<1x128xi32, #tpu.memory_space<vmem>> -> memref<128xi32, #tpu.memory_space<vmem>>
      %dma_start3A_38 = arith.constant 0 : i32
      %dma_start3A_39 = arith.constant 0 : i32
      %dma_start3A_40 = tpu.memref_slice %arg2[%dma_start3A_38, %dma_start3A_39] : memref<10240x128xf32, #tpu.memory_space<hbm>> -> memref<10240x128xf32, #tpu.memory_space<hbm>>
      tpu.enqueue_indirect_dma source(%dma_start3A_40 : memref<10240x128xf32, #tpu.memory_space<hbm>>) target(%arg14 : memref<128x128xf32, #tpu.memory_space<vmem>>) offsets(%dma_start3A_37 : memref<128xi32, #tpu.memory_space<vmem>>) semaphore(%arg16 : memref<!tpu.dma_semaphore, #tpu.memory_space<semaphore_mem>>)
      %dma_start3A_41 = arith.constant 0 : i32
      %dma_start3A_42 = tpu.memref_slice %arg13[%while3A_35, %dma_start3A_41] : memref<97x128xi32, #tpu.memory_space<vmem>> -> memref<1x128xi32, #tpu.memory_space<vmem>>
      %dma_start3A_43 = tpu.memref_squeeze %dma_start3A_42 : memref<1x128xi32, #tpu.memory_space<vmem>> -> memref<128xi32, #tpu.memory_space<vmem>>
      %dma_start3A_44 = arith.constant 0 : i32
      %dma_start3A_45 = tpu.memref_slice %arg7[%dma_start3A_44] : memref<10240xf32, #tpu.memory_space<hbm>> -> memref<10240xf32, #tpu.memory_space<hbm>>
      tpu.enqueue_indirect_dma source(%dma_start3A_45 : memref<10240xf32, #tpu.memory_space<hbm>>) target(%arg17 : memref<128xf32, #tpu.memory_space<vmem>>) offsets(%dma_start3A_43 : memref<128xi32, #tpu.memory_space<vmem>>) semaphore(%arg19 : memref<!tpu.dma_semaphore, #tpu.memory_space<semaphore_mem>>)
      %dma_wait3A = arith.constant 0 : i32
      %dma_wait3A_46 = tpu.memref_slice %arg12[%while3A_35, %dma_wait3A] : memref<97x128xi32, #tpu.memory_space<vmem>> -> memref<1x128xi32, #tpu.memory_space<vmem>>
      %dma_wait3A_47 = tpu.memref_squeeze %dma_wait3A_46 : memref<1x128xi32, #tpu.memory_space<vmem>> -> memref<128xi32, #tpu.memory_space<vmem>>
      %dma_wait3A_48 = arith.constant 0 : i32
      %dma_wait3A_49 = arith.constant 0 : i32
      %dma_wait3A_50 = tpu.memref_slice %arg2[%dma_wait3A_48, %dma_wait3A_49] : memref<10240x128xf32, #tpu.memory_space<hbm>> -> memref<10240x128xf32, #tpu.memory_space<hbm>>
      tpu.wait_indirect_dma semaphore(%arg16 : memref<!tpu.dma_semaphore, #tpu.memory_space<semaphore_mem>>) src(%dma_wait3A_50 : memref<10240x128xf32, #tpu.memory_space<hbm>>) dst(%arg14 : memref<128x128xf32, #tpu.memory_space<vmem>>)
      "tpu.region"() ({
        %run_scoped3A = tpu.sem_alloc : memref<!tpu.dma_semaphore, #tpu.memory_space<semaphore_mem>>
        %dma_start3A_56 = arith.constant 0 : i32
        %dma_start3A_57 = tpu.memref_slice %arg13[%while3A_35, %dma_start3A_56] : memref<97x128xi32, #tpu.memory_space<vmem>> -> memref<1x128xi32, #tpu.memory_space<vmem>>
        %dma_start3A_58 = tpu.memref_squeeze %dma_start3A_57 : memref<1x128xi32, #tpu.memory_space<vmem>> -> memref<128xi32, #tpu.memory_space<vmem>>
        %dma_start3A_59 = arith.constant 0 : i32
        %dma_start3A_60 = arith.constant 0 : i32
        %dma_start3A_61 = tpu.memref_slice %arg15[%dma_start3A_59, %dma_start3A_60] : memref<10240x128xf32, #tpu.memory_space<vmem_shared>> -> memref<10240x128xf32, #tpu.memory_space<vmem_shared>>
        tpu.enqueue_indirect_dma source(%arg14 : memref<128x128xf32, #tpu.memory_space<vmem>>) target(%dma_start3A_61 : memref<10240x128xf32, #tpu.memory_space<vmem_shared>>) offsets(%dma_start3A_58 : memref<128xi32, #tpu.memory_space<vmem>>) semaphore(%run_scoped3A : memref<!tpu.dma_semaphore, #tpu.memory_space<semaphore_mem>>) {add = true}
        %dma_wait3A_62 = arith.constant 0 : i32
        %dma_wait3A_63 = tpu.memref_slice %arg13[%while3A_35, %dma_wait3A_62] : memref<97x128xi32, #tpu.memory_space<vmem>> -> memref<1x128xi32, #tpu.memory_space<vmem>>
        %dma_wait3A_64 = tpu.memref_squeeze %dma_wait3A_63 : memref<1x128xi32, #tpu.memory_space<vmem>> -> memref<128xi32, #tpu.memory_space<vmem>>
        %dma_wait3A_65 = arith.constant 0 : i32
        %dma_wait3A_66 = arith.constant 0 : i32
        %dma_wait3A_67 = tpu.memref_slice %arg15[%dma_wait3A_65, %dma_wait3A_66] : memref<10240x128xf32, #tpu.memory_space<vmem_shared>> -> memref<10240x128xf32, #tpu.memory_space<vmem_shared>>
        tpu.wait_indirect_dma semaphore(%run_scoped3A : memref<!tpu.dma_semaphore, #tpu.memory_space<semaphore_mem>>) src(%arg14 : memref<128x128xf32, #tpu.memory_space<vmem>>) dst(%dma_wait3A_67 : memref<10240x128xf32, #tpu.memory_space<vmem_shared>>)
        tpu.yield
      }) : () -> ()
      %dma_wait3A_51 = arith.constant 0 : i32
      %dma_wait3A_52 = tpu.memref_slice %arg13[%while3A_35, %dma_wait3A_51] : memref<97x128xi32, #tpu.memory_space<vmem>> -> memref<1x128xi32, #tpu.memory_space<vmem>>
      %dma_wait3A_53 = tpu.memref_squeeze %dma_wait3A_52 : memref<1x128xi32, #tpu.memory_space<vmem>> -> memref<128xi32, #tpu.memory_space<vmem>>
      %dma_wait3A_54 = arith.constant 0 : i32
      %dma_wait3A_55 = tpu.memref_slice %arg7[%dma_wait3A_54] : memref<10240xf32, #tpu.memory_space<hbm>> -> memref<10240xf32, #tpu.memory_space<hbm>>
      tpu.wait_indirect_dma semaphore(%arg19 : memref<!tpu.dma_semaphore, #tpu.memory_space<semaphore_mem>>) src(%dma_wait3A_55 : memref<10240xf32, #tpu.memory_space<hbm>>) dst(%arg17 : memref<128xf32, #tpu.memory_space<vmem>>)
      "tpu.region"() ({
        %run_scoped3A = tpu.sem_alloc : memref<!tpu.dma_semaphore, #tpu.memory_space<semaphore_mem>>
        %dma_start3A_56 = arith.constant 0 : i32
        %dma_start3A_57 = tpu.memref_slice %arg12[%while3A_35, %dma_start3A_56] : memref<97x128xi32, #tpu.memory_space<vmem>> -> memref<1x128xi32, #tpu.memory_space<vmem>>
        %dma_start3A_58 = tpu.memref_squeeze %dma_start3A_57 : memref<1x128xi32, #tpu.memory_space<vmem>> -> memref<128xi32, #tpu.memory_space<vmem>>
        %dma_start3A_59 = arith.constant 0 : i32
        %dma_start3A_60 = tpu.memref_slice %arg18[%dma_start3A_59] : memref<10240xf32, #tpu.memory_space<vmem_shared>> -> memref<10240xf32, #tpu.memory_space<vmem_shared>>
        tpu.enqueue_indirect_dma source(%arg17 : memref<128xf32, #tpu.memory_space<vmem>>) target(%dma_start3A_60 : memref<10240xf32, #tpu.memory_space<vmem_shared>>) offsets(%dma_start3A_58 : memref<128xi32, #tpu.memory_space<vmem>>) semaphore(%run_scoped3A : memref<!tpu.dma_semaphore, #tpu.memory_space<semaphore_mem>>) {add = true}
        %dma_wait3A_61 = arith.constant 0 : i32
        %dma_wait3A_62 = tpu.memref_slice %arg12[%while3A_35, %dma_wait3A_61] : memref<97x128xi32, #tpu.memory_space<vmem>> -> memref<1x128xi32, #tpu.memory_space<vmem>>
        %dma_wait3A_63 = tpu.memref_squeeze %dma_wait3A_62 : memref<1x128xi32, #tpu.memory_space<vmem>> -> memref<128xi32, #tpu.memory_space<vmem>>
        %dma_wait3A_64 = arith.constant 0 : i32
        %dma_wait3A_65 = tpu.memref_slice %arg18[%dma_wait3A_64] : memref<10240xf32, #tpu.memory_space<vmem_shared>> -> memref<10240xf32, #tpu.memory_space<vmem_shared>>
        tpu.wait_indirect_dma semaphore(%run_scoped3A : memref<!tpu.dma_semaphore, #tpu.memory_space<semaphore_mem>>) src(%arg17 : memref<128xf32, #tpu.memory_space<vmem>>) dst(%dma_wait3A_65 : memref<10240xf32, #tpu.memory_space<vmem_shared>>)
        tpu.yield
      }) : () -> ()
    }
    %while3A_25 = arith.constant 1 : i32
    scf.for %while3A_35 = %while3A_23 to %while3A_19 step %while3A_25  : i32 {
      %dma_start3A = arith.constant 0 : i32
      %dma_start3A_36 = tpu.memref_slice %arg12[%while3A_35, %dma_start3A] : memref<97x128xi32, #tpu.memory_space<vmem>> -> memref<1x128xi32, #tpu.memory_space<vmem>>
      %dma_start3A_37 = tpu.memref_squeeze %dma_start3A_36 : memref<1x128xi32, #tpu.memory_space<vmem>> -> memref<128xi32, #tpu.memory_space<vmem>>
      %dma_start3A_38 = arith.constant 0 : i32
      %dma_start3A_39 = arith.constant 0 : i32
      %dma_start3A_40 = tpu.memref_slice %arg2[%dma_start3A_38, %dma_start3A_39] : memref<10240x128xf32, #tpu.memory_space<hbm>> -> memref<10240x128xf32, #tpu.memory_space<hbm>>
      tpu.enqueue_indirect_dma source(%dma_start3A_40 : memref<10240x128xf32, #tpu.memory_space<hbm>>) target(%arg14 : memref<128x128xf32, #tpu.memory_space<vmem>>) offsets(%dma_start3A_37 : memref<128xi32, #tpu.memory_space<vmem>>) semaphore(%arg16 : memref<!tpu.dma_semaphore, #tpu.memory_space<semaphore_mem>>)
      %dma_start3A_41 = arith.constant 0 : i32
      %dma_start3A_42 = tpu.memref_slice %arg13[%while3A_35, %dma_start3A_41] : memref<97x128xi32, #tpu.memory_space<vmem>> -> memref<1x128xi32, #tpu.memory_space<vmem>>
      %dma_start3A_43 = tpu.memref_squeeze %dma_start3A_42 : memref<1x128xi32, #tpu.memory_space<vmem>> -> memref<128xi32, #tpu.memory_space<vmem>>
      %dma_start3A_44 = arith.constant 0 : i32
      %dma_start3A_45 = tpu.memref_slice %arg7[%dma_start3A_44] : memref<10240xf32, #tpu.memory_space<hbm>> -> memref<10240xf32, #tpu.memory_space<hbm>>
      tpu.enqueue_indirect_dma source(%dma_start3A_45 : memref<10240xf32, #tpu.memory_space<hbm>>) target(%arg17 : memref<128xf32, #tpu.memory_space<vmem>>) offsets(%dma_start3A_43 : memref<128xi32, #tpu.memory_space<vmem>>) semaphore(%arg19 : memref<!tpu.dma_semaphore, #tpu.memory_space<semaphore_mem>>)
      %dma_wait3A = arith.constant 0 : i32
      %dma_wait3A_46 = tpu.memref_slice %arg12[%while3A_35, %dma_wait3A] : memref<97x128xi32, #tpu.memory_space<vmem>> -> memref<1x128xi32, #tpu.memory_space<vmem>>
      %dma_wait3A_47 = tpu.memref_squeeze %dma_wait3A_46 : memref<1x128xi32, #tpu.memory_space<vmem>> -> memref<128xi32, #tpu.memory_space<vmem>>
      %dma_wait3A_48 = arith.constant 0 : i32
      %dma_wait3A_49 = arith.constant 0 : i32
      %dma_wait3A_50 = tpu.memref_slice %arg2[%dma_wait3A_48, %dma_wait3A_49] : memref<10240x128xf32, #tpu.memory_space<hbm>> -> memref<10240x128xf32, #tpu.memory_space<hbm>>
      tpu.wait_indirect_dma semaphore(%arg16 : memref<!tpu.dma_semaphore, #tpu.memory_space<semaphore_mem>>) src(%dma_wait3A_50 : memref<10240x128xf32, #tpu.memory_space<hbm>>) dst(%arg14 : memref<128x128xf32, #tpu.memory_space<vmem>>)
      "tpu.region"() ({
        %run_scoped3A = tpu.sem_alloc : memref<!tpu.dma_semaphore, #tpu.memory_space<semaphore_mem>>
        %dma_start3A_56 = arith.constant 0 : i32
        %dma_start3A_57 = tpu.memref_slice %arg13[%while3A_35, %dma_start3A_56] : memref<97x128xi32, #tpu.memory_space<vmem>> -> memref<1x128xi32, #tpu.memory_space<vmem>>
        %dma_start3A_58 = tpu.memref_squeeze %dma_start3A_57 : memref<1x128xi32, #tpu.memory_space<vmem>> -> memref<128xi32, #tpu.memory_space<vmem>>
        %dma_start3A_59 = arith.constant 0 : i32
        %dma_start3A_60 = arith.constant 0 : i32
        %dma_start3A_61 = tpu.memref_slice %arg15[%dma_start3A_59, %dma_start3A_60] : memref<10240x128xf32, #tpu.memory_space<vmem_shared>> -> memref<10240x128xf32, #tpu.memory_space<vmem_shared>>
        tpu.enqueue_indirect_dma source(%arg14 : memref<128x128xf32, #tpu.memory_space<vmem>>) target(%dma_start3A_61 : memref<10240x128xf32, #tpu.memory_space<vmem_shared>>) offsets(%dma_start3A_58 : memref<128xi32, #tpu.memory_space<vmem>>) semaphore(%run_scoped3A : memref<!tpu.dma_semaphore, #tpu.memory_space<semaphore_mem>>) {add = true}
        %dma_wait3A_62 = arith.constant 0 : i32
        %dma_wait3A_63 = tpu.memref_slice %arg13[%while3A_35, %dma_wait3A_62] : memref<97x128xi32, #tpu.memory_space<vmem>> -> memref<1x128xi32, #tpu.memory_space<vmem>>
        %dma_wait3A_64 = tpu.memref_squeeze %dma_wait3A_63 : memref<1x128xi32, #tpu.memory_space<vmem>> -> memref<128xi32, #tpu.memory_space<vmem>>
        %dma_wait3A_65 = arith.constant 0 : i32
        %dma_wait3A_66 = arith.constant 0 : i32
        %dma_wait3A_67 = tpu.memref_slice %arg15[%dma_wait3A_65, %dma_wait3A_66] : memref<10240x128xf32, #tpu.memory_space<vmem_shared>> -> memref<10240x128xf32, #tpu.memory_space<vmem_shared>>
        tpu.wait_indirect_dma semaphore(%run_scoped3A : memref<!tpu.dma_semaphore, #tpu.memory_space<semaphore_mem>>) src(%arg14 : memref<128x128xf32, #tpu.memory_space<vmem>>) dst(%dma_wait3A_67 : memref<10240x128xf32, #tpu.memory_space<vmem_shared>>)
        tpu.yield
      }) : () -> ()
      %dma_wait3A_51 = arith.constant 0 : i32
      %dma_wait3A_52 = tpu.memref_slice %arg13[%while3A_35, %dma_wait3A_51] : memref<97x128xi32, #tpu.memory_space<vmem>> -> memref<1x128xi32, #tpu.memory_space<vmem>>
      %dma_wait3A_53 = tpu.memref_squeeze %dma_wait3A_52 : memref<1x128xi32, #tpu.memory_space<vmem>> -> memref<128xi32, #tpu.memory_space<vmem>>
      %dma_wait3A_54 = arith.constant 0 : i32
      %dma_wait3A_55 = tpu.memref_slice %arg7[%dma_wait3A_54] : memref<10240xf32, #tpu.memory_space<hbm>> -> memref<10240xf32, #tpu.memory_space<hbm>>
      tpu.wait_indirect_dma semaphore(%arg19 : memref<!tpu.dma_semaphore, #tpu.memory_space<semaphore_mem>>) src(%dma_wait3A_55 : memref<10240xf32, #tpu.memory_space<hbm>>) dst(%arg17 : memref<128xf32, #tpu.memory_space<vmem>>)
      "tpu.region"() ({
        %run_scoped3A = tpu.sem_alloc : memref<!tpu.dma_semaphore, #tpu.memory_space<semaphore_mem>>
        %dma_start3A_56 = arith.constant 0 : i32
        %dma_start3A_57 = tpu.memref_slice %arg12[%while3A_35, %dma_start3A_56] : memref<97x128xi32, #tpu.memory_space<vmem>> -> memref<1x128xi32, #tpu.memory_space<vmem>>
        %dma_start3A_58 = tpu.memref_squeeze %dma_start3A_57 : memref<1x128xi32, #tpu.memory_space<vmem>> -> memref<128xi32, #tpu.memory_space<vmem>>
        %dma_start3A_59 = arith.constant 0 : i32
        %dma_start3A_60 = tpu.memref_slice %arg18[%dma_start3A_59] : memref<10240xf32, #tpu.memory_space<vmem_shared>> -> memref<10240xf32, #tpu.memory_space<vmem_shared>>
        tpu.enqueue_indirect_dma source(%arg17 : memref<128xf32, #tpu.memory_space<vmem>>) target(%dma_start3A_60 : memref<10240xf32, #tpu.memory_space<vmem_shared>>) offsets(%dma_start3A_58 : memref<128xi32, #tpu.memory_space<vmem>>) semaphore(%run_scoped3A : memref<!tpu.dma_semaphore, #tpu.memory_space<semaphore_mem>>) {add = true}
        %dma_wait3A_61 = arith.constant 0 : i32
        %dma_wait3A_62 = tpu.memref_slice %arg12[%while3A_35, %dma_wait3A_61] : memref<97x128xi32, #tpu.memory_space<vmem>> -> memref<1x128xi32, #tpu.memory_space<vmem>>
        %dma_wait3A_63 = tpu.memref_squeeze %dma_wait3A_62 : memref<1x128xi32, #tpu.memory_space<vmem>> -> memref<128xi32, #tpu.memory_space<vmem>>
        %dma_wait3A_64 = arith.constant 0 : i32
        %dma_wait3A_65 = tpu.memref_slice %arg18[%dma_wait3A_64] : memref<10240xf32, #tpu.memory_space<vmem_shared>> -> memref<10240xf32, #tpu.memory_space<vmem_shared>>
        tpu.wait_indirect_dma semaphore(%run_scoped3A : memref<!tpu.dma_semaphore, #tpu.memory_space<semaphore_mem>>) src(%arg17 : memref<128xf32, #tpu.memory_space<vmem>>) dst(%dma_wait3A_65 : memref<10240xf32, #tpu.memory_space<vmem_shared>>)
        tpu.yield
      }) : () -> ()
    }
    %barrier3A_26 = arith.constant 0 : index
    tpu.barrier barrier_id(%barrier3A_26)
    %mul3A_27 = arith.constant 640 : i32
    %mul3A_28 = arith.muli %arg1, %mul3A_27 : i32
    %mul3A_29 = arith.constant 640 : i32
    %mul3A_30 = arith.muli %arg1, %mul3A_29 : i32
    "tpu.region"() ({
      %run_scoped3A = tpu.sem_alloc : memref<!tpu.dma_semaphore, #tpu.memory_space<semaphore_mem>>
      %dma_start3A = arith.constant 0 : i32
      %dma_start3A_35 = tpu.memref_slice %arg10[%arg0, %mul3A_30, %dma_start3A] : memref<2x10240x128xf32, #tpu.memory_space<hbm>> -> memref<1x640x128xf32, #tpu.memory_space<hbm>>
      %dma_start3A_36 = tpu.memref_squeeze %dma_start3A_35 : memref<1x640x128xf32, #tpu.memory_space<hbm>> -> memref<640x128xf32, #tpu.memory_space<hbm>>
      %dma_start3A_37 = arith.constant 0 : i32
      %dma_start3A_38 = tpu.memref_slice %arg15[%mul3A_28, %dma_start3A_37] : memref<10240x128xf32, #tpu.memory_space<vmem_shared>> -> memref<640x128xf32, #tpu.memory_space<vmem_shared>>
      tpu.enqueue_dma source(%dma_start3A_38 : memref<640x128xf32, #tpu.memory_space<vmem_shared>>) target(%dma_start3A_36 : memref<640x128xf32, #tpu.memory_space<hbm>>) target_semaphore(%run_scoped3A : memref<!tpu.dma_semaphore, #tpu.memory_space<semaphore_mem>>)
      %dma_wait3A = arith.constant 0 : i32
      %dma_wait3A_39 = tpu.memref_slice %arg10[%arg0, %mul3A_30, %dma_wait3A] : memref<2x10240x128xf32, #tpu.memory_space<hbm>> -> memref<1x640x128xf32, #tpu.memory_space<hbm>>
      %dma_wait3A_40 = tpu.memref_squeeze %dma_wait3A_39 : memref<1x640x128xf32, #tpu.memory_space<hbm>> -> memref<640x128xf32, #tpu.memory_space<hbm>>
      %dma_wait3A_41 = arith.constant 0 : i32
      %dma_wait3A_42 = tpu.memref_slice %arg15[%mul3A_28, %dma_wait3A_41] : memref<10240x128xf32, #tpu.memory_space<vmem_shared>> -> memref<640x128xf32, #tpu.memory_space<vmem_shared>>
      tpu.wait_dma2 semaphore(%run_scoped3A : memref<!tpu.dma_semaphore, #tpu.memory_space<semaphore_mem>>) src(%dma_wait3A_42 : memref<640x128xf32, #tpu.memory_space<vmem_shared>>) dst(%dma_wait3A_40 : memref<640x128xf32, #tpu.memory_space<hbm>>)
      tpu.yield
    }) : () -> ()
    %mul3A_31 = arith.constant 640 : i32
    %mul3A_32 = arith.muli %arg1, %mul3A_31 : i32
    %mul3A_33 = arith.constant 640 : i32
    %mul3A_34 = arith.muli %arg1, %mul3A_33 : i32
    "tpu.region"() ({
      %run_scoped3A = tpu.sem_alloc : memref<!tpu.dma_semaphore, #tpu.memory_space<semaphore_mem>>
      %dma_start3A = tpu.memref_slice %arg11[%arg0, %mul3A_34] : memref<2x10240xf32, #tpu.memory_space<hbm>> -> memref<1x640xf32, #tpu.memory_space<hbm>>
      %dma_start3A_35 = tpu.memref_squeeze %dma_start3A : memref<1x640xf32, #tpu.memory_space<hbm>> -> memref<640xf32, #tpu.memory_space<hbm>>
      %dma_start3A_36 = tpu.memref_slice %arg18[%mul3A_32] : memref<10240xf32, #tpu.memory_space<vmem_shared>> -> memref<640xf32, #tpu.memory_space<vmem_shared>>
      tpu.enqueue_dma source(%dma_start3A_36 : memref<640xf32, #tpu.memory_space<vmem_shared>>) target(%dma_start3A_35 : memref<640xf32, #tpu.memory_space<hbm>>) target_semaphore(%run_scoped3A : memref<!tpu.dma_semaphore, #tpu.memory_space<semaphore_mem>>)
      %dma_wait3A = tpu.memref_slice %arg11[%arg0, %mul3A_34] : memref<2x10240xf32, #tpu.memory_space<hbm>> -> memref<1x640xf32, #tpu.memory_space<hbm>>
      %dma_wait3A_37 = tpu.memref_squeeze %dma_wait3A : memref<1x640xf32, #tpu.memory_space<hbm>> -> memref<640xf32, #tpu.memory_space<hbm>>
      %dma_wait3A_38 = tpu.memref_slice %arg18[%mul3A_32] : memref<10240xf32, #tpu.memory_space<vmem_shared>> -> memref<640xf32, #tpu.memory_space<vmem_shared>>
      tpu.wait_dma2 semaphore(%run_scoped3A : memref<!tpu.dma_semaphore, #tpu.memory_space<semaphore_mem>>) src(%dma_wait3A_38 : memref<640xf32, #tpu.memory_space<vmem_shared>>) dst(%dma_wait3A_37 : memref<640xf32, #tpu.memory_space<hbm>>)
      tpu.yield
    }) : () -> ()
    return
  }
}

#map = affine_map<(d0, d1) -> (0, 0)>
#map1 = affine_map<(d0, d1) -> (0, 0, 0)>
#map2 = affine_map<(d0, d1) -> (0)>
module attributes {stable_mosaic.version = 14 : i64} {
  func.func @k(%arg0: i32, %arg1: i32, %arg2: memref<10240x128xf32, #tpu.memory_space<hbm>>, %arg3: memref<16x97x128xi32, #tpu.memory_space<hbm>>, %arg4: memref<16x97x128xi32, #tpu.memory_space<hbm>>, %arg5: memref<16x60x128xi32, #tpu.memory_space<hbm>>, %arg6: memref<16x60x128xi32, #tpu.memory_space<hbm>>, %arg7: memref<10240xf32, #tpu.memory_space<hbm>>, %arg8: memref<10240x128xf32, #tpu.memory_space<hbm>>, %arg9: memref<10240xf32, #tpu.memory_space<hbm>>, %arg10: memref<2x10240x128xf32, #tpu.memory_space<hbm>>, %arg11: memref<97x128xi32, #tpu.memory_space<vmem>>, %arg12: memref<97x128xi32, #tpu.memory_space<vmem>>, %arg13: memref<128x128xf32, #tpu.memory_space<vmem>>, %arg14: memref<10240x128xf32, #tpu.memory_space<vmem_shared>>, %arg15: memref<!tpu.dma_semaphore, #tpu.memory_space<semaphore_mem>>) attributes {dimension_semantics = [#tpu.dimension_semantics<core_parallel>, #tpu.dimension_semantics<subcore_parallel>], iteration_bounds = array<i64: 2, 16>, scalar_prefetch = 0 : i64, scratch_operands = 5 : i64, tpu.core_type = #tpu.core_type<sc_vector_subcore>, window_params = [{transform_indices = #map}, {transform_indices = #map1}, {transform_indices = #map1}, {transform_indices = #map1}, {transform_indices = #map1}, {transform_indices = #map2}, {transform_indices = #map}, {transform_indices = #map2}, {transform_indices = #map1}]} {
    %eq3A = arith.constant 0 : i32
    %eq3A_0 = arith.cmpi eq, %arg0, %eq3A : i32
    %jit3A = arith.constant 97 : i32
    %jit3A_1 = arith.constant 60 : i32
    %select_n3A = arith.select %eq3A_0, %jit3A, %jit3A_1 : i32
    %mul3A = arith.constant 640 : i32
    %mul3A_2 = arith.muli %arg1, %mul3A : i32
    %mul3A_3 = arith.constant 640 : i32
    %mul3A_4 = arith.muli %arg1, %mul3A_3 : i32
    "tpu.region"() ({
      %run_scoped3A = tpu.sem_alloc : memref<!tpu.dma_semaphore, #tpu.memory_space<semaphore_mem>>
      %dma_start3A = arith.constant 0 : i32
      %dma_start3A_27 = tpu.memref_slice %arg14[%mul3A_4, %dma_start3A] : memref<10240x128xf32, #tpu.memory_space<vmem_shared>> -> memref<640x128xf32, #tpu.memory_space<vmem_shared>>
      %dma_start3A_28 = arith.constant 0 : i32
      %dma_start3A_29 = tpu.memref_slice %arg8[%mul3A_2, %dma_start3A_28] : memref<10240x128xf32, #tpu.memory_space<hbm>> -> memref<640x128xf32, #tpu.memory_space<hbm>>
      tpu.enqueue_dma source(%dma_start3A_29 : memref<640x128xf32, #tpu.memory_space<hbm>>) target(%dma_start3A_27 : memref<640x128xf32, #tpu.memory_space<vmem_shared>>) target_semaphore(%run_scoped3A : memref<!tpu.dma_semaphore, #tpu.memory_space<semaphore_mem>>)
      %dma_wait3A = arith.constant 0 : i32
      %dma_wait3A_30 = tpu.memref_slice %arg14[%mul3A_4, %dma_wait3A] : memref<10240x128xf32, #tpu.memory_space<vmem_shared>> -> memref<640x128xf32, #tpu.memory_space<vmem_shared>>
      %dma_wait3A_31 = arith.constant 0 : i32
      %dma_wait3A_32 = tpu.memref_slice %arg8[%mul3A_2, %dma_wait3A_31] : memref<10240x128xf32, #tpu.memory_space<hbm>> -> memref<640x128xf32, #tpu.memory_space<hbm>>
      tpu.wait_dma2 semaphore(%run_scoped3A : memref<!tpu.dma_semaphore, #tpu.memory_space<semaphore_mem>>) src(%dma_wait3A_32 : memref<640x128xf32, #tpu.memory_space<hbm>>) dst(%dma_wait3A_30 : memref<640x128xf32, #tpu.memory_space<vmem_shared>>)
      tpu.yield
    }) : () -> ()
    %eq3A_5 = arith.constant 0 : i32
    %eq3A_6 = arith.cmpi eq, %arg0, %eq3A_5 : i32
    %convert_element_type3A = arith.extui %eq3A_6 : i1 to i32
    %cond3A = arith.constant 0 : i32
    %cond3A_7 = arith.cmpi ne, %convert_element_type3A, %cond3A : i32
    scf.if %cond3A_7 {
      "tpu.region"() ({
        %run_scoped3A = tpu.sem_alloc : memref<!tpu.dma_semaphore, #tpu.memory_space<semaphore_mem>>
        %dma_start3A = arith.constant 0 : i32
        %dma_start3A_27 = arith.constant 0 : i32
        %dma_start3A_28 = tpu.memref_slice %arg11[%dma_start3A, %dma_start3A_27] : memref<97x128xi32, #tpu.memory_space<vmem>> -> memref<97x128xi32, #tpu.memory_space<vmem>>
        %dma_start3A_29 = arith.constant 0 : i32
        %dma_start3A_30 = arith.constant 0 : i32
        %dma_start3A_31 = tpu.memref_slice %arg3[%arg1, %dma_start3A_29, %dma_start3A_30] : memref<16x97x128xi32, #tpu.memory_space<hbm>> -> memref<1x97x128xi32, #tpu.memory_space<hbm>>
        %dma_start3A_32 = tpu.memref_squeeze %dma_start3A_31 : memref<1x97x128xi32, #tpu.memory_space<hbm>> -> memref<97x128xi32, #tpu.memory_space<hbm>>
        %dma_start3A_33 = arith.constant 0 : i32
        %dma_start3A_34 = arith.constant 0 : i32
        %dma_start3A_35 = tpu.memref_slice %arg11[%dma_start3A_33, %dma_start3A_34] : memref<97x128xi32, #tpu.memory_space<vmem>> -> memref<97x128xi32, #tpu.memory_space<vmem>>
        %dma_start3A_36 = arith.constant 0 : i32
        %dma_start3A_37 = arith.constant 0 : i32
        %dma_start3A_38 = tpu.memref_slice %arg3[%arg1, %dma_start3A_36, %dma_start3A_37] : memref<16x97x128xi32, #tpu.memory_space<hbm>> -> memref<1x97x128xi32, #tpu.memory_space<hbm>>
        %dma_start3A_39 = tpu.memref_squeeze %dma_start3A_38 : memref<1x97x128xi32, #tpu.memory_space<hbm>> -> memref<97x128xi32, #tpu.memory_space<hbm>>
        tpu.enqueue_dma source(%dma_start3A_39 : memref<97x128xi32, #tpu.memory_space<hbm>>) target(%dma_start3A_35 : memref<97x128xi32, #tpu.memory_space<vmem>>) target_semaphore(%run_scoped3A : memref<!tpu.dma_semaphore, #tpu.memory_space<semaphore_mem>>)
        %dma_wait3A = arith.constant 0 : i32
        %dma_wait3A_40 = arith.constant 0 : i32
        %dma_wait3A_41 = tpu.memref_slice %arg11[%dma_wait3A, %dma_wait3A_40] : memref<97x128xi32, #tpu.memory_space<vmem>> -> memref<97x128xi32, #tpu.memory_space<vmem>>
        %dma_wait3A_42 = arith.constant 0 : i32
        %dma_wait3A_43 = arith.constant 0 : i32
        %dma_wait3A_44 = tpu.memref_slice %arg3[%arg1, %dma_wait3A_42, %dma_wait3A_43] : memref<16x97x128xi32, #tpu.memory_space<hbm>> -> memref<1x97x128xi32, #tpu.memory_space<hbm>>
        %dma_wait3A_45 = tpu.memref_squeeze %dma_wait3A_44 : memref<1x97x128xi32, #tpu.memory_space<hbm>> -> memref<97x128xi32, #tpu.memory_space<hbm>>
        %dma_wait3A_46 = arith.constant 0 : i32
        %dma_wait3A_47 = arith.constant 0 : i32
        %dma_wait3A_48 = tpu.memref_slice %arg11[%dma_wait3A_46, %dma_wait3A_47] : memref<97x128xi32, #tpu.memory_space<vmem>> -> memref<97x128xi32, #tpu.memory_space<vmem>>
        %dma_wait3A_49 = arith.constant 0 : i32
        %dma_wait3A_50 = arith.constant 0 : i32
        %dma_wait3A_51 = tpu.memref_slice %arg3[%arg1, %dma_wait3A_49, %dma_wait3A_50] : memref<16x97x128xi32, #tpu.memory_space<hbm>> -> memref<1x97x128xi32, #tpu.memory_space<hbm>>
        %dma_wait3A_52 = tpu.memref_squeeze %dma_wait3A_51 : memref<1x97x128xi32, #tpu.memory_space<hbm>> -> memref<97x128xi32, #tpu.memory_space<hbm>>
        tpu.wait_dma2 semaphore(%run_scoped3A : memref<!tpu.dma_semaphore, #tpu.memory_space<semaphore_mem>>) src(%dma_wait3A_52 : memref<97x128xi32, #tpu.memory_space<hbm>>) dst(%dma_wait3A_48 : memref<97x128xi32, #tpu.memory_space<vmem>>)
        tpu.yield
      }) : () -> ()
      "tpu.region"() ({
        %run_scoped3A = tpu.sem_alloc : memref<!tpu.dma_semaphore, #tpu.memory_space<semaphore_mem>>
        %dma_start3A = arith.constant 0 : i32
        %dma_start3A_27 = arith.constant 0 : i32
        %dma_start3A_28 = tpu.memref_slice %arg12[%dma_start3A, %dma_start3A_27] : memref<97x128xi32, #tpu.memory_space<vmem>> -> memref<97x128xi32, #tpu.memory_space<vmem>>
        %dma_start3A_29 = arith.constant 0 : i32
        %dma_start3A_30 = arith.constant 0 : i32
        %dma_start3A_31 = tpu.memref_slice %arg4[%arg1, %dma_start3A_29, %dma_start3A_30] : memref<16x97x128xi32, #tpu.memory_space<hbm>> -> memref<1x97x128xi32, #tpu.memory_space<hbm>>
        %dma_start3A_32 = tpu.memref_squeeze %dma_start3A_31 : memref<1x97x128xi32, #tpu.memory_space<hbm>> -> memref<97x128xi32, #tpu.memory_space<hbm>>
        %dma_start3A_33 = arith.constant 0 : i32
        %dma_start3A_34 = arith.constant 0 : i32
        %dma_start3A_35 = tpu.memref_slice %arg12[%dma_start3A_33, %dma_start3A_34] : memref<97x128xi32, #tpu.memory_space<vmem>> -> memref<97x128xi32, #tpu.memory_space<vmem>>
        %dma_start3A_36 = arith.constant 0 : i32
        %dma_start3A_37 = arith.constant 0 : i32
        %dma_start3A_38 = tpu.memref_slice %arg4[%arg1, %dma_start3A_36, %dma_start3A_37] : memref<16x97x128xi32, #tpu.memory_space<hbm>> -> memref<1x97x128xi32, #tpu.memory_space<hbm>>
        %dma_start3A_39 = tpu.memref_squeeze %dma_start3A_38 : memref<1x97x128xi32, #tpu.memory_space<hbm>> -> memref<97x128xi32, #tpu.memory_space<hbm>>
        tpu.enqueue_dma source(%dma_start3A_39 : memref<97x128xi32, #tpu.memory_space<hbm>>) target(%dma_start3A_35 : memref<97x128xi32, #tpu.memory_space<vmem>>) target_semaphore(%run_scoped3A : memref<!tpu.dma_semaphore, #tpu.memory_space<semaphore_mem>>)
        %dma_wait3A = arith.constant 0 : i32
        %dma_wait3A_40 = arith.constant 0 : i32
        %dma_wait3A_41 = tpu.memref_slice %arg12[%dma_wait3A, %dma_wait3A_40] : memref<97x128xi32, #tpu.memory_space<vmem>> -> memref<97x128xi32, #tpu.memory_space<vmem>>
        %dma_wait3A_42 = arith.constant 0 : i32
        %dma_wait3A_43 = arith.constant 0 : i32
        %dma_wait3A_44 = tpu.memref_slice %arg4[%arg1, %dma_wait3A_42, %dma_wait3A_43] : memref<16x97x128xi32, #tpu.memory_space<hbm>> -> memref<1x97x128xi32, #tpu.memory_space<hbm>>
        %dma_wait3A_45 = tpu.memref_squeeze %dma_wait3A_44 : memref<1x97x128xi32, #tpu.memory_space<hbm>> -> memref<97x128xi32, #tpu.memory_space<hbm>>
        %dma_wait3A_46 = arith.constant 0 : i32
        %dma_wait3A_47 = arith.constant 0 : i32
        %dma_wait3A_48 = tpu.memref_slice %arg12[%dma_wait3A_46, %dma_wait3A_47] : memref<97x128xi32, #tpu.memory_space<vmem>> -> memref<97x128xi32, #tpu.memory_space<vmem>>
        %dma_wait3A_49 = arith.constant 0 : i32
        %dma_wait3A_50 = arith.constant 0 : i32
        %dma_wait3A_51 = tpu.memref_slice %arg4[%arg1, %dma_wait3A_49, %dma_wait3A_50] : memref<16x97x128xi32, #tpu.memory_space<hbm>> -> memref<1x97x128xi32, #tpu.memory_space<hbm>>
        %dma_wait3A_52 = tpu.memref_squeeze %dma_wait3A_51 : memref<1x97x128xi32, #tpu.memory_space<hbm>> -> memref<97x128xi32, #tpu.memory_space<hbm>>
        tpu.wait_dma2 semaphore(%run_scoped3A : memref<!tpu.dma_semaphore, #tpu.memory_space<semaphore_mem>>) src(%dma_wait3A_52 : memref<97x128xi32, #tpu.memory_space<hbm>>) dst(%dma_wait3A_48 : memref<97x128xi32, #tpu.memory_space<vmem>>)
        tpu.yield
      }) : () -> ()
    } else {
    }
    %eq3A_8 = arith.constant 1 : i32
    %eq3A_9 = arith.cmpi eq, %arg0, %eq3A_8 : i32
    %convert_element_type3A_10 = arith.extui %eq3A_9 : i1 to i32
    %cond3A_11 = arith.constant 0 : i32
    %cond3A_12 = arith.cmpi ne, %convert_element_type3A_10, %cond3A_11 : i32
    scf.if %cond3A_12 {
      "tpu.region"() ({
        %run_scoped3A = tpu.sem_alloc : memref<!tpu.dma_semaphore, #tpu.memory_space<semaphore_mem>>
        %dma_start3A = arith.constant 0 : i32
        %dma_start3A_27 = arith.constant 0 : i32
        %dma_start3A_28 = tpu.memref_slice %arg11[%dma_start3A, %dma_start3A_27] : memref<97x128xi32, #tpu.memory_space<vmem>> -> memref<60x128xi32, #tpu.memory_space<vmem>>
        %dma_start3A_29 = arith.constant 0 : i32
        %dma_start3A_30 = arith.constant 0 : i32
        %dma_start3A_31 = tpu.memref_slice %arg5[%arg1, %dma_start3A_29, %dma_start3A_30] : memref<16x60x128xi32, #tpu.memory_space<hbm>> -> memref<1x60x128xi32, #tpu.memory_space<hbm>>
        %dma_start3A_32 = tpu.memref_squeeze %dma_start3A_31 : memref<1x60x128xi32, #tpu.memory_space<hbm>> -> memref<60x128xi32, #tpu.memory_space<hbm>>
        %dma_start3A_33 = arith.constant 0 : i32
        %dma_start3A_34 = arith.constant 0 : i32
        %dma_start3A_35 = tpu.memref_slice %arg11[%dma_start3A_33, %dma_start3A_34] : memref<97x128xi32, #tpu.memory_space<vmem>> -> memref<60x128xi32, #tpu.memory_space<vmem>>
        %dma_start3A_36 = arith.constant 0 : i32
        %dma_start3A_37 = arith.constant 0 : i32
        %dma_start3A_38 = tpu.memref_slice %arg5[%arg1, %dma_start3A_36, %dma_start3A_37] : memref<16x60x128xi32, #tpu.memory_space<hbm>> -> memref<1x60x128xi32, #tpu.memory_space<hbm>>
        %dma_start3A_39 = tpu.memref_squeeze %dma_start3A_38 : memref<1x60x128xi32, #tpu.memory_space<hbm>> -> memref<60x128xi32, #tpu.memory_space<hbm>>
        tpu.enqueue_dma source(%dma_start3A_39 : memref<60x128xi32, #tpu.memory_space<hbm>>) target(%dma_start3A_35 : memref<60x128xi32, #tpu.memory_space<vmem>>) target_semaphore(%run_scoped3A : memref<!tpu.dma_semaphore, #tpu.memory_space<semaphore_mem>>)
        %dma_wait3A = arith.constant 0 : i32
        %dma_wait3A_40 = arith.constant 0 : i32
        %dma_wait3A_41 = tpu.memref_slice %arg11[%dma_wait3A, %dma_wait3A_40] : memref<97x128xi32, #tpu.memory_space<vmem>> -> memref<60x128xi32, #tpu.memory_space<vmem>>
        %dma_wait3A_42 = arith.constant 0 : i32
        %dma_wait3A_43 = arith.constant 0 : i32
        %dma_wait3A_44 = tpu.memref_slice %arg5[%arg1, %dma_wait3A_42, %dma_wait3A_43] : memref<16x60x128xi32, #tpu.memory_space<hbm>> -> memref<1x60x128xi32, #tpu.memory_space<hbm>>
        %dma_wait3A_45 = tpu.memref_squeeze %dma_wait3A_44 : memref<1x60x128xi32, #tpu.memory_space<hbm>> -> memref<60x128xi32, #tpu.memory_space<hbm>>
        %dma_wait3A_46 = arith.constant 0 : i32
        %dma_wait3A_47 = arith.constant 0 : i32
        %dma_wait3A_48 = tpu.memref_slice %arg11[%dma_wait3A_46, %dma_wait3A_47] : memref<97x128xi32, #tpu.memory_space<vmem>> -> memref<60x128xi32, #tpu.memory_space<vmem>>
        %dma_wait3A_49 = arith.constant 0 : i32
        %dma_wait3A_50 = arith.constant 0 : i32
        %dma_wait3A_51 = tpu.memref_slice %arg5[%arg1, %dma_wait3A_49, %dma_wait3A_50] : memref<16x60x128xi32, #tpu.memory_space<hbm>> -> memref<1x60x128xi32, #tpu.memory_space<hbm>>
        %dma_wait3A_52 = tpu.memref_squeeze %dma_wait3A_51 : memref<1x60x128xi32, #tpu.memory_space<hbm>> -> memref<60x128xi32, #tpu.memory_space<hbm>>
        tpu.wait_dma2 semaphore(%run_scoped3A : memref<!tpu.dma_semaphore, #tpu.memory_space<semaphore_mem>>) src(%dma_wait3A_52 : memref<60x128xi32, #tpu.memory_space<hbm>>) dst(%dma_wait3A_48 : memref<60x128xi32, #tpu.memory_space<vmem>>)
        tpu.yield
      }) : () -> ()
      "tpu.region"() ({
        %run_scoped3A = tpu.sem_alloc : memref<!tpu.dma_semaphore, #tpu.memory_space<semaphore_mem>>
        %dma_start3A = arith.constant 0 : i32
        %dma_start3A_27 = arith.constant 0 : i32
        %dma_start3A_28 = tpu.memref_slice %arg12[%dma_start3A, %dma_start3A_27] : memref<97x128xi32, #tpu.memory_space<vmem>> -> memref<60x128xi32, #tpu.memory_space<vmem>>
        %dma_start3A_29 = arith.constant 0 : i32
        %dma_start3A_30 = arith.constant 0 : i32
        %dma_start3A_31 = tpu.memref_slice %arg6[%arg1, %dma_start3A_29, %dma_start3A_30] : memref<16x60x128xi32, #tpu.memory_space<hbm>> -> memref<1x60x128xi32, #tpu.memory_space<hbm>>
        %dma_start3A_32 = tpu.memref_squeeze %dma_start3A_31 : memref<1x60x128xi32, #tpu.memory_space<hbm>> -> memref<60x128xi32, #tpu.memory_space<hbm>>
        %dma_start3A_33 = arith.constant 0 : i32
        %dma_start3A_34 = arith.constant 0 : i32
        %dma_start3A_35 = tpu.memref_slice %arg12[%dma_start3A_33, %dma_start3A_34] : memref<97x128xi32, #tpu.memory_space<vmem>> -> memref<60x128xi32, #tpu.memory_space<vmem>>
        %dma_start3A_36 = arith.constant 0 : i32
        %dma_start3A_37 = arith.constant 0 : i32
        %dma_start3A_38 = tpu.memref_slice %arg6[%arg1, %dma_start3A_36, %dma_start3A_37] : memref<16x60x128xi32, #tpu.memory_space<hbm>> -> memref<1x60x128xi32, #tpu.memory_space<hbm>>
        %dma_start3A_39 = tpu.memref_squeeze %dma_start3A_38 : memref<1x60x128xi32, #tpu.memory_space<hbm>> -> memref<60x128xi32, #tpu.memory_space<hbm>>
        tpu.enqueue_dma source(%dma_start3A_39 : memref<60x128xi32, #tpu.memory_space<hbm>>) target(%dma_start3A_35 : memref<60x128xi32, #tpu.memory_space<vmem>>) target_semaphore(%run_scoped3A : memref<!tpu.dma_semaphore, #tpu.memory_space<semaphore_mem>>)
        %dma_wait3A = arith.constant 0 : i32
        %dma_wait3A_40 = arith.constant 0 : i32
        %dma_wait3A_41 = tpu.memref_slice %arg12[%dma_wait3A, %dma_wait3A_40] : memref<97x128xi32, #tpu.memory_space<vmem>> -> memref<60x128xi32, #tpu.memory_space<vmem>>
        %dma_wait3A_42 = arith.constant 0 : i32
        %dma_wait3A_43 = arith.constant 0 : i32
        %dma_wait3A_44 = tpu.memref_slice %arg6[%arg1, %dma_wait3A_42, %dma_wait3A_43] : memref<16x60x128xi32, #tpu.memory_space<hbm>> -> memref<1x60x128xi32, #tpu.memory_space<hbm>>
        %dma_wait3A_45 = tpu.memref_squeeze %dma_wait3A_44 : memref<1x60x128xi32, #tpu.memory_space<hbm>> -> memref<60x128xi32, #tpu.memory_space<hbm>>
        %dma_wait3A_46 = arith.constant 0 : i32
        %dma_wait3A_47 = arith.constant 0 : i32
        %dma_wait3A_48 = tpu.memref_slice %arg12[%dma_wait3A_46, %dma_wait3A_47] : memref<97x128xi32, #tpu.memory_space<vmem>> -> memref<60x128xi32, #tpu.memory_space<vmem>>
        %dma_wait3A_49 = arith.constant 0 : i32
        %dma_wait3A_50 = arith.constant 0 : i32
        %dma_wait3A_51 = tpu.memref_slice %arg6[%arg1, %dma_wait3A_49, %dma_wait3A_50] : memref<16x60x128xi32, #tpu.memory_space<hbm>> -> memref<1x60x128xi32, #tpu.memory_space<hbm>>
        %dma_wait3A_52 = tpu.memref_squeeze %dma_wait3A_51 : memref<1x60x128xi32, #tpu.memory_space<hbm>> -> memref<60x128xi32, #tpu.memory_space<hbm>>
        tpu.wait_dma2 semaphore(%run_scoped3A : memref<!tpu.dma_semaphore, #tpu.memory_space<semaphore_mem>>) src(%dma_wait3A_52 : memref<60x128xi32, #tpu.memory_space<hbm>>) dst(%dma_wait3A_48 : memref<60x128xi32, #tpu.memory_space<vmem>>)
        tpu.yield
      }) : () -> ()
    } else {
    }
    %barrier3A = arith.constant 0 : index
    tpu.barrier barrier_id(%barrier3A)
    %while3A = arith.constant 0 : i32
    %while3A_13 = arith.constant 0 : i32
    %while3A_14 = arith.subi %select_n3A, %while3A_13 : i32
    %while3A_15 = arith.addi %while3A_13, %while3A_14 : i32
    %while3A_16 = arith.constant 1 : i32
    %while3A_17 = arith.divsi %while3A_14, %while3A_16 : i32
    %while3A_18 = arith.muli %while3A_17, %while3A_16 : i32
    %while3A_19 = arith.addi %while3A_13, %while3A_18 : i32
    %while3A_20 = arith.constant 1 : i32
    scf.for %while3A_27 = %while3A_13 to %while3A_19 step %while3A_20  : i32 {
      %dma_start3A = arith.constant 0 : i32
      %dma_start3A_28 = tpu.memref_slice %arg11[%while3A_27, %dma_start3A] : memref<97x128xi32, #tpu.memory_space<vmem>> -> memref<1x128xi32, #tpu.memory_space<vmem>>
      %dma_start3A_29 = tpu.memref_squeeze %dma_start3A_28 : memref<1x128xi32, #tpu.memory_space<vmem>> -> memref<128xi32, #tpu.memory_space<vmem>>
      %dma_start3A_30 = arith.constant 0 : i32
      %dma_start3A_31 = arith.constant 0 : i32
      %dma_start3A_32 = tpu.memref_slice %arg2[%dma_start3A_30, %dma_start3A_31] : memref<10240x128xf32, #tpu.memory_space<hbm>> -> memref<10240x128xf32, #tpu.memory_space<hbm>>
      tpu.enqueue_indirect_dma source(%dma_start3A_32 : memref<10240x128xf32, #tpu.memory_space<hbm>>) target(%arg13 : memref<128x128xf32, #tpu.memory_space<vmem>>) offsets(%dma_start3A_29 : memref<128xi32, #tpu.memory_space<vmem>>) semaphore(%arg15 : memref<!tpu.dma_semaphore, #tpu.memory_space<semaphore_mem>>)
      %dma_wait3A = arith.constant 0 : i32
      %dma_wait3A_33 = tpu.memref_slice %arg11[%while3A_27, %dma_wait3A] : memref<97x128xi32, #tpu.memory_space<vmem>> -> memref<1x128xi32, #tpu.memory_space<vmem>>
      %dma_wait3A_34 = tpu.memref_squeeze %dma_wait3A_33 : memref<1x128xi32, #tpu.memory_space<vmem>> -> memref<128xi32, #tpu.memory_space<vmem>>
      %dma_wait3A_35 = arith.constant 0 : i32
      %dma_wait3A_36 = arith.constant 0 : i32
      %dma_wait3A_37 = tpu.memref_slice %arg2[%dma_wait3A_35, %dma_wait3A_36] : memref<10240x128xf32, #tpu.memory_space<hbm>> -> memref<10240x128xf32, #tpu.memory_space<hbm>>
      tpu.wait_indirect_dma semaphore(%arg15 : memref<!tpu.dma_semaphore, #tpu.memory_space<semaphore_mem>>) src(%dma_wait3A_37 : memref<10240x128xf32, #tpu.memory_space<hbm>>) dst(%arg13 : memref<128x128xf32, #tpu.memory_space<vmem>>)
      "tpu.region"() ({
        %run_scoped3A = tpu.sem_alloc : memref<!tpu.dma_semaphore, #tpu.memory_space<semaphore_mem>>
        %dma_start3A_38 = arith.constant 0 : i32
        %dma_start3A_39 = tpu.memref_slice %arg12[%while3A_27, %dma_start3A_38] : memref<97x128xi32, #tpu.memory_space<vmem>> -> memref<1x128xi32, #tpu.memory_space<vmem>>
        %dma_start3A_40 = tpu.memref_squeeze %dma_start3A_39 : memref<1x128xi32, #tpu.memory_space<vmem>> -> memref<128xi32, #tpu.memory_space<vmem>>
        %dma_start3A_41 = arith.constant 0 : i32
        %dma_start3A_42 = arith.constant 0 : i32
        %dma_start3A_43 = tpu.memref_slice %arg14[%dma_start3A_41, %dma_start3A_42] : memref<10240x128xf32, #tpu.memory_space<vmem_shared>> -> memref<10240x128xf32, #tpu.memory_space<vmem_shared>>
        tpu.enqueue_indirect_dma source(%arg13 : memref<128x128xf32, #tpu.memory_space<vmem>>) target(%dma_start3A_43 : memref<10240x128xf32, #tpu.memory_space<vmem_shared>>) offsets(%dma_start3A_40 : memref<128xi32, #tpu.memory_space<vmem>>) semaphore(%run_scoped3A : memref<!tpu.dma_semaphore, #tpu.memory_space<semaphore_mem>>) {add = true}
        %dma_wait3A_44 = arith.constant 0 : i32
        %dma_wait3A_45 = tpu.memref_slice %arg12[%while3A_27, %dma_wait3A_44] : memref<97x128xi32, #tpu.memory_space<vmem>> -> memref<1x128xi32, #tpu.memory_space<vmem>>
        %dma_wait3A_46 = tpu.memref_squeeze %dma_wait3A_45 : memref<1x128xi32, #tpu.memory_space<vmem>> -> memref<128xi32, #tpu.memory_space<vmem>>
        %dma_wait3A_47 = arith.constant 0 : i32
        %dma_wait3A_48 = arith.constant 0 : i32
        %dma_wait3A_49 = tpu.memref_slice %arg14[%dma_wait3A_47, %dma_wait3A_48] : memref<10240x128xf32, #tpu.memory_space<vmem_shared>> -> memref<10240x128xf32, #tpu.memory_space<vmem_shared>>
        tpu.wait_indirect_dma semaphore(%run_scoped3A : memref<!tpu.dma_semaphore, #tpu.memory_space<semaphore_mem>>) src(%arg13 : memref<128x128xf32, #tpu.memory_space<vmem>>) dst(%dma_wait3A_49 : memref<10240x128xf32, #tpu.memory_space<vmem_shared>>)
        tpu.yield
      }) : () -> ()
    }
    %while3A_21 = arith.constant 1 : i32
    scf.for %while3A_27 = %while3A_19 to %while3A_15 step %while3A_21  : i32 {
      %dma_start3A = arith.constant 0 : i32
      %dma_start3A_28 = tpu.memref_slice %arg11[%while3A_27, %dma_start3A] : memref<97x128xi32, #tpu.memory_space<vmem>> -> memref<1x128xi32, #tpu.memory_space<vmem>>
      %dma_start3A_29 = tpu.memref_squeeze %dma_start3A_28 : memref<1x128xi32, #tpu.memory_space<vmem>> -> memref<128xi32, #tpu.memory_space<vmem>>
      %dma_start3A_30 = arith.constant 0 : i32
      %dma_start3A_31 = arith.constant 0 : i32
      %dma_start3A_32 = tpu.memref_slice %arg2[%dma_start3A_30, %dma_start3A_31] : memref<10240x128xf32, #tpu.memory_space<hbm>> -> memref<10240x128xf32, #tpu.memory_space<hbm>>
      tpu.enqueue_indirect_dma source(%dma_start3A_32 : memref<10240x128xf32, #tpu.memory_space<hbm>>) target(%arg13 : memref<128x128xf32, #tpu.memory_space<vmem>>) offsets(%dma_start3A_29 : memref<128xi32, #tpu.memory_space<vmem>>) semaphore(%arg15 : memref<!tpu.dma_semaphore, #tpu.memory_space<semaphore_mem>>)
      %dma_wait3A = arith.constant 0 : i32
      %dma_wait3A_33 = tpu.memref_slice %arg11[%while3A_27, %dma_wait3A] : memref<97x128xi32, #tpu.memory_space<vmem>> -> memref<1x128xi32, #tpu.memory_space<vmem>>
      %dma_wait3A_34 = tpu.memref_squeeze %dma_wait3A_33 : memref<1x128xi32, #tpu.memory_space<vmem>> -> memref<128xi32, #tpu.memory_space<vmem>>
      %dma_wait3A_35 = arith.constant 0 : i32
      %dma_wait3A_36 = arith.constant 0 : i32
      %dma_wait3A_37 = tpu.memref_slice %arg2[%dma_wait3A_35, %dma_wait3A_36] : memref<10240x128xf32, #tpu.memory_space<hbm>> -> memref<10240x128xf32, #tpu.memory_space<hbm>>
      tpu.wait_indirect_dma semaphore(%arg15 : memref<!tpu.dma_semaphore, #tpu.memory_space<semaphore_mem>>) src(%dma_wait3A_37 : memref<10240x128xf32, #tpu.memory_space<hbm>>) dst(%arg13 : memref<128x128xf32, #tpu.memory_space<vmem>>)
      "tpu.region"() ({
        %run_scoped3A = tpu.sem_alloc : memref<!tpu.dma_semaphore, #tpu.memory_space<semaphore_mem>>
        %dma_start3A_38 = arith.constant 0 : i32
        %dma_start3A_39 = tpu.memref_slice %arg12[%while3A_27, %dma_start3A_38] : memref<97x128xi32, #tpu.memory_space<vmem>> -> memref<1x128xi32, #tpu.memory_space<vmem>>
        %dma_start3A_40 = tpu.memref_squeeze %dma_start3A_39 : memref<1x128xi32, #tpu.memory_space<vmem>> -> memref<128xi32, #tpu.memory_space<vmem>>
        %dma_start3A_41 = arith.constant 0 : i32
        %dma_start3A_42 = arith.constant 0 : i32
        %dma_start3A_43 = tpu.memref_slice %arg14[%dma_start3A_41, %dma_start3A_42] : memref<10240x128xf32, #tpu.memory_space<vmem_shared>> -> memref<10240x128xf32, #tpu.memory_space<vmem_shared>>
        tpu.enqueue_indirect_dma source(%arg13 : memref<128x128xf32, #tpu.memory_space<vmem>>) target(%dma_start3A_43 : memref<10240x128xf32, #tpu.memory_space<vmem_shared>>) offsets(%dma_start3A_40 : memref<128xi32, #tpu.memory_space<vmem>>) semaphore(%run_scoped3A : memref<!tpu.dma_semaphore, #tpu.memory_space<semaphore_mem>>) {add = true}
        %dma_wait3A_44 = arith.constant 0 : i32
        %dma_wait3A_45 = tpu.memref_slice %arg12[%while3A_27, %dma_wait3A_44] : memref<97x128xi32, #tpu.memory_space<vmem>> -> memref<1x128xi32, #tpu.memory_space<vmem>>
        %dma_wait3A_46 = tpu.memref_squeeze %dma_wait3A_45 : memref<1x128xi32, #tpu.memory_space<vmem>> -> memref<128xi32, #tpu.memory_space<vmem>>
        %dma_wait3A_47 = arith.constant 0 : i32
        %dma_wait3A_48 = arith.constant 0 : i32
        %dma_wait3A_49 = tpu.memref_slice %arg14[%dma_wait3A_47, %dma_wait3A_48] : memref<10240x128xf32, #tpu.memory_space<vmem_shared>> -> memref<10240x128xf32, #tpu.memory_space<vmem_shared>>
        tpu.wait_indirect_dma semaphore(%run_scoped3A : memref<!tpu.dma_semaphore, #tpu.memory_space<semaphore_mem>>) src(%arg13 : memref<128x128xf32, #tpu.memory_space<vmem>>) dst(%dma_wait3A_49 : memref<10240x128xf32, #tpu.memory_space<vmem_shared>>)
        tpu.yield
      }) : () -> ()
    }
    %barrier3A_22 = arith.constant 0 : index
    tpu.barrier barrier_id(%barrier3A_22)
    %mul3A_23 = arith.constant 640 : i32
    %mul3A_24 = arith.muli %arg1, %mul3A_23 : i32
    %mul3A_25 = arith.constant 640 : i32
    %mul3A_26 = arith.muli %arg1, %mul3A_25 : i32
    "tpu.region"() ({
      %run_scoped3A = tpu.sem_alloc : memref<!tpu.dma_semaphore, #tpu.memory_space<semaphore_mem>>
      %dma_start3A = arith.constant 0 : i32
      %dma_start3A_27 = tpu.memref_slice %arg10[%arg0, %mul3A_26, %dma_start3A] : memref<2x10240x128xf32, #tpu.memory_space<hbm>> -> memref<1x640x128xf32, #tpu.memory_space<hbm>>
      %dma_start3A_28 = tpu.memref_squeeze %dma_start3A_27 : memref<1x640x128xf32, #tpu.memory_space<hbm>> -> memref<640x128xf32, #tpu.memory_space<hbm>>
      %dma_start3A_29 = arith.constant 0 : i32
      %dma_start3A_30 = tpu.memref_slice %arg14[%mul3A_24, %dma_start3A_29] : memref<10240x128xf32, #tpu.memory_space<vmem_shared>> -> memref<640x128xf32, #tpu.memory_space<vmem_shared>>
      tpu.enqueue_dma source(%dma_start3A_30 : memref<640x128xf32, #tpu.memory_space<vmem_shared>>) target(%dma_start3A_28 : memref<640x128xf32, #tpu.memory_space<hbm>>) target_semaphore(%run_scoped3A : memref<!tpu.dma_semaphore, #tpu.memory_space<semaphore_mem>>)
      %dma_wait3A = arith.constant 0 : i32
      %dma_wait3A_31 = tpu.memref_slice %arg10[%arg0, %mul3A_26, %dma_wait3A] : memref<2x10240x128xf32, #tpu.memory_space<hbm>> -> memref<1x640x128xf32, #tpu.memory_space<hbm>>
      %dma_wait3A_32 = tpu.memref_squeeze %dma_wait3A_31 : memref<1x640x128xf32, #tpu.memory_space<hbm>> -> memref<640x128xf32, #tpu.memory_space<hbm>>
      %dma_wait3A_33 = arith.constant 0 : i32
      %dma_wait3A_34 = tpu.memref_slice %arg14[%mul3A_24, %dma_wait3A_33] : memref<10240x128xf32, #tpu.memory_space<vmem_shared>> -> memref<640x128xf32, #tpu.memory_space<vmem_shared>>
      tpu.wait_dma2 semaphore(%run_scoped3A : memref<!tpu.dma_semaphore, #tpu.memory_space<semaphore_mem>>) src(%dma_wait3A_34 : memref<640x128xf32, #tpu.memory_space<vmem_shared>>) dst(%dma_wait3A_32 : memref<640x128xf32, #tpu.memory_space<hbm>>)
      tpu.yield
    }) : () -> ()
    return
  }
}

module attributes {stable_mosaic.version = 14 : i64} {
  func.func @_tc1_body(%arg0: i32, %arg1: memref<640x128xf32, #tpu.memory_space<vmem>>, %arg2: memref<128x128xf32, #tpu.memory_space<vmem>>, %arg3: memref<2x640x1xf32, #tpu.memory_space<vmem>>, %arg4: memref<640x128xf32, #tpu.memory_space<vmem>>, %arg5: memref<640x1xf32, #tpu.memory_space<vmem>>) attributes {dimension_semantics = [#tpu.dimension_semantics<arbitrary>], iteration_bounds = array<i64: 16>, scalar_prefetch = 0 : i64, scratch_operands = 0 : i64, tpu.core_type = #tpu.core_type<tc>, window_params = [{transform_indices = @transform_0, window_bounds = array<i64: 640, 128>}, {pipeline_mode = #tpu.pipeline_mode<synchronous>, transform_indices = @transform_1, window_bounds = array<i64: 128, 128>}, {transform_indices = @transform_2, window_bounds = array<i64: 2, 640, 1>}, {transform_indices = @transform_3, window_bounds = array<i64: 640, 128>}, {transform_indices = @transform_4, window_bounds = array<i64: 640, 1>}]} {
    %get3A = arith.constant 0 : index
    %get3A_0 = arith.constant 0 : index
    %get3A_1 = arith.constant 0 : index
    %get3A_2 = vector.load %arg3[%get3A, %get3A_0, %get3A_1] : memref<2x640x1xf32, #tpu.memory_space<vmem>>, vector<1x640x1xf32>
    %get3A_3 = vector.shape_cast %get3A_2 : vector<1x640x1xf32> to vector<640x1xf32>
    %get3A_4 = arith.constant 1 : index
    %get3A_5 = arith.constant 0 : index
    %get3A_6 = arith.constant 0 : index
    %get3A_7 = vector.load %arg3[%get3A_4, %get3A_5, %get3A_6] : memref<2x640x1xf32, #tpu.memory_space<vmem>>, vector<1x640x1xf32>
    %get3A_8 = vector.shape_cast %get3A_7 : vector<1x640x1xf32> to vector<640x1xf32>
    %add3A = arith.addf %get3A_3, %get3A_8 : vector<640x1xf32>
    %add3A_9 = arith.constant 1.000000e+00 : f32
    %add3A_10 = vector.broadcast %add3A_9 : f32 to vector<640x1xf32>
    %add3A_11 = arith.addf %add3A, %add3A_10 : vector<640x1xf32>
    %mul3A = arith.constant 640 : i32
    %mul3A_12 = arith.muli %arg0, %mul3A : i32
    %iota3A = tpu.iota {dimensions = array<i32: 0>} : vector<640x1xi32>
    %add3A_13 = vector.broadcast %mul3A_12 : i32 to vector<640x1xi32>
    %add3A_14 = arith.addi %add3A_13, %iota3A : vector<640x1xi32>
    %lt3A = arith.constant 10000 : i32
    %lt3A_15 = vector.broadcast %lt3A : i32 to vector<640x1xi32>
    %lt3A_16 = arith.cmpi slt, %add3A_14, %lt3A_15 : vector<640x1xi32>
    %rsqrt3A = math.rsqrt %add3A_11 : vector<640x1xf32>
    %jit3A = arith.constant 0.000000e+00 : f32
    %broadcast_in_dim3A = vector.broadcast %jit3A : f32 to vector<640x1xf32>
    %select_n3A = arith.select %lt3A_16, %rsqrt3A, %broadcast_in_dim3A : vector<640x1xi1>, vector<640x1xf32>
    %get3A_17 = arith.constant 0 : index
    %get3A_18 = arith.constant 0 : index
    %get3A_19 = vector.load %arg1[%get3A_17, %get3A_18] : memref<640x128xf32, #tpu.memory_space<vmem>>, vector<640x128xf32>
    %get3A_20 = arith.constant 0 : index
    %get3A_21 = arith.constant 0 : index
    %get3A_22 = vector.load %arg2[%get3A_20, %get3A_21] : memref<128x128xf32, #tpu.memory_space<vmem>>, vector<128x128xf32>
    %dot_general3A = arith.constant dense<0.000000e+00> : vector<640x128xf32>
    %dot_general3A_23 = tpu.matmul %get3A_19, %get3A_22, %dot_general3A {dimension_numbers = #tpu.dot_dimension_numbers<[1], [0], [0], [1], [0, 0, 1, 1], [], []>, transpose_lhs_hint = false} : vector<640x128xf32>, vector<128x128xf32>, vector<640x128xf32> -> vector<640x128xf32>
    %mul3A_24 = vector.broadcast %select_n3A : vector<640x1xf32> to vector<640x128xf32>
    %mul3A_25 = arith.mulf %mul3A_24, %dot_general3A_23 : vector<640x128xf32>
    %swap3A = arith.constant 0 : index
    %swap3A_26 = arith.constant 0 : index
    %swap3A_27 = vector.load %arg4[%swap3A, %swap3A_26] : memref<640x128xf32, #tpu.memory_space<vmem>>, vector<640x128xf32>
    tpu.vector_store %arg4[%swap3A, %swap3A_26], %mul3A_25 {strides = array<i32>} : memref<640x128xf32, #tpu.memory_space<vmem>>, vector<640x128xf32>,
    %swap3A_28 = arith.constant 0 : index
    %swap3A_29 = arith.constant 0 : index
    %swap3A_30 = vector.load %arg5[%swap3A_28, %swap3A_29] : memref<640x1xf32, #tpu.memory_space<vmem>>, vector<640x1xf32>
    tpu.vector_store %arg5[%swap3A_28, %swap3A_29], %select_n3A {strides = array<i32>} : memref<640x1xf32, #tpu.memory_space<vmem>>, vector<640x1xf32>,
    return
  }
  func.func @transform_0(%arg0: i32) -> (i32, i32) {
    %c0_i32 = arith.constant 0 : i32
    %c0_i32_0 = arith.constant 0 : i32
    return %arg0, %c0_i32 : i32, i32
  }
  func.func @transform_1(%arg0: i32) -> (i32, i32) {
    %c0_i32 = arith.constant 0 : i32
    %c0_i32_0 = arith.constant 0 : i32
    %c0_i32_1 = arith.constant 0 : i32
    return %c0_i32, %c0_i32_0 : i32, i32
  }
  func.func @transform_2(%arg0: i32) -> (i32, i32, i32) {
    %c0_i32 = arith.constant 0 : i32
    %c0_i32_0 = arith.constant 0 : i32
    %c0_i32_1 = arith.constant 0 : i32
    return %c0_i32, %arg0, %c0_i32_0 : i32, i32, i32
  }
  func.func @transform_3(%arg0: i32) -> (i32, i32) {
    %c0_i32 = arith.constant 0 : i32
    %c0_i32_0 = arith.constant 0 : i32
    return %arg0, %c0_i32 : i32, i32
  }
  func.func @transform_4(%arg0: i32) -> (i32, i32) {
    %c0_i32 = arith.constant 0 : i32
    %c0_i32_0 = arith.constant 0 : i32
    return %arg0, %c0_i32 : i32, i32
  }
}

module attributes {stable_mosaic.version = 14 : i64} {
  func.func @_tc2_body(%arg0: i32, %arg1: memref<2x640x128xf32, #tpu.memory_space<vmem>>, %arg2: memref<640x128xf32, #tpu.memory_space<vmem>>, %arg3: memref<640x1xf32, #tpu.memory_space<vmem>>, %arg4: memref<1x128xf32, #tpu.memory_space<vmem>>, %arg5: memref<128x128xf32, #tpu.memory_space<vmem>>, %arg6: memref<640x128xf32, #tpu.memory_space<vmem>>) attributes {dimension_semantics = [#tpu.dimension_semantics<arbitrary>], iteration_bounds = array<i64: 16>, scalar_prefetch = 0 : i64, scratch_operands = 0 : i64, tpu.core_type = #tpu.core_type<tc>, window_params = [{transform_indices = @transform_0, window_bounds = array<i64: 2, 640, 128>}, {transform_indices = @transform_1, window_bounds = array<i64: 640, 128>}, {transform_indices = @transform_2, window_bounds = array<i64: 640, 1>}, {pipeline_mode = #tpu.pipeline_mode<synchronous>, transform_indices = @transform_3, window_bounds = array<i64: 1, 128>}, {pipeline_mode = #tpu.pipeline_mode<synchronous>, transform_indices = @transform_4, window_bounds = array<i64: 128, 128>}, {transform_indices = @transform_5, window_bounds = array<i64: 640, 128>}]} {
    %get3A = arith.constant 0 : index
    %get3A_0 = arith.constant 0 : index
    %get3A_1 = vector.load %arg3[%get3A, %get3A_0] : memref<640x1xf32, #tpu.memory_space<vmem>>, vector<640x1xf32>
    %get3A_2 = arith.constant 0 : index
    %get3A_3 = arith.constant 0 : index
    %get3A_4 = arith.constant 0 : index
    %get3A_5 = vector.load %arg1[%get3A_2, %get3A_3, %get3A_4] : memref<2x640x128xf32, #tpu.memory_space<vmem>>, vector<1x640x128xf32>
    %get3A_6 = vector.shape_cast %get3A_5 : vector<1x640x128xf32> to vector<640x128xf32>
    %get3A_7 = arith.constant 1 : index
    %get3A_8 = arith.constant 0 : index
    %get3A_9 = arith.constant 0 : index
    %get3A_10 = vector.load %arg1[%get3A_7, %get3A_8, %get3A_9] : memref<2x640x128xf32, #tpu.memory_space<vmem>>, vector<1x640x128xf32>
    %get3A_11 = vector.shape_cast %get3A_10 : vector<1x640x128xf32> to vector<640x128xf32>
    %add3A = arith.addf %get3A_6, %get3A_11 : vector<640x128xf32>
    %get3A_12 = arith.constant 0 : index
    %get3A_13 = arith.constant 0 : index
    %get3A_14 = vector.load %arg2[%get3A_12, %get3A_13] : memref<640x128xf32, #tpu.memory_space<vmem>>, vector<640x128xf32>
    %add3A_15 = arith.addf %add3A, %get3A_14 : vector<640x128xf32>
    %mul3A = vector.broadcast %get3A_1 : vector<640x1xf32> to vector<640x128xf32>
    %mul3A_16 = arith.mulf %mul3A, %add3A_15 : vector<640x128xf32>
    %get3A_17 = arith.constant 0 : index
    %get3A_18 = arith.constant 0 : index
    %get3A_19 = vector.load %arg4[%get3A_17, %get3A_18] : memref<1x128xf32, #tpu.memory_space<vmem>>, vector<1x128xf32>
    %add3A_20 = vector.broadcast %get3A_19 : vector<1x128xf32> to vector<640x128xf32>
    %add3A_21 = arith.addf %mul3A_16, %add3A_20 : vector<640x128xf32>
    %max3A = arith.constant 0.000000e+00 : f32
    %max3A_22 = vector.broadcast %max3A : f32 to vector<640x128xf32>
    %max3A_23 = arith.maximumf %add3A_21, %max3A_22 : vector<640x128xf32>
    %get3A_24 = arith.constant 0 : index
    %get3A_25 = arith.constant 0 : index
    %get3A_26 = vector.load %arg5[%get3A_24, %get3A_25] : memref<128x128xf32, #tpu.memory_space<vmem>>, vector<128x128xf32>
    %dot_general3A = arith.constant dense<0.000000e+00> : vector<640x128xf32>
    %dot_general3A_27 = tpu.matmul %max3A_23, %get3A_26, %dot_general3A {dimension_numbers = #tpu.dot_dimension_numbers<[1], [0], [0], [1], [0, 0, 1, 1], [], []>, transpose_lhs_hint = false} : vector<640x128xf32>, vector<128x128xf32>, vector<640x128xf32> -> vector<640x128xf32>
    %mul3A_28 = vector.broadcast %get3A_1 : vector<640x1xf32> to vector<640x128xf32>
    %mul3A_29 = arith.mulf %mul3A_28, %dot_general3A_27 : vector<640x128xf32>
    %swap3A = arith.constant 0 : index
    %swap3A_30 = arith.constant 0 : index
    %swap3A_31 = vector.load %arg6[%swap3A, %swap3A_30] : memref<640x128xf32, #tpu.memory_space<vmem>>, vector<640x128xf32>
    tpu.vector_store %arg6[%swap3A, %swap3A_30], %mul3A_29 {strides = array<i32>} : memref<640x128xf32, #tpu.memory_space<vmem>>, vector<640x128xf32>,
    return
  }
  func.func @transform_0(%arg0: i32) -> (i32, i32, i32) {
    %c0_i32 = arith.constant 0 : i32
    %c0_i32_0 = arith.constant 0 : i32
    %c0_i32_1 = arith.constant 0 : i32
    return %c0_i32, %arg0, %c0_i32_0 : i32, i32, i32
  }
  func.func @transform_1(%arg0: i32) -> (i32, i32) {
    %c0_i32 = arith.constant 0 : i32
    %c0_i32_0 = arith.constant 0 : i32
    return %arg0, %c0_i32 : i32, i32
  }
  func.func @transform_2(%arg0: i32) -> (i32, i32) {
    %c0_i32 = arith.constant 0 : i32
    %c0_i32_0 = arith.constant 0 : i32
    return %arg0, %c0_i32 : i32, i32
  }
  func.func @transform_3(%arg0: i32) -> (i32, i32) {
    %c0_i32 = arith.constant 0 : i32
    %c0_i32_0 = arith.constant 0 : i32
    %c0_i32_1 = arith.constant 0 : i32
    return %c0_i32, %c0_i32_0 : i32, i32
  }
  func.func @transform_4(%arg0: i32) -> (i32, i32) {
    %c0_i32 = arith.constant 0 : i32
    %c0_i32_0 = arith.constant 0 : i32
    %c0_i32_1 = arith.constant 0 : i32
    return %c0_i32, %c0_i32_0 : i32, i32
  }
  func.func @transform_5(%arg0: i32) -> (i32, i32) {
    %c0_i32 = arith.constant 0 : i32
    %c0_i32_0 = arith.constant 0 : i32
    return %arg0, %c0_i32 : i32, i32
  }
}

module attributes {stable_mosaic.version = 14 : i64} {
  func.func @_tc3_body(%arg0: i32, %arg1: memref<2x640x128xf32, #tpu.memory_space<vmem>>, %arg2: memref<640x128xf32, #tpu.memory_space<vmem>>, %arg3: memref<640x1xf32, #tpu.memory_space<vmem>>, %arg4: memref<2x640x1xf32, #tpu.memory_space<vmem>>, %arg5: memref<1x128xf32, #tpu.memory_space<vmem>>, %arg6: memref<128x128xf32, #tpu.memory_space<vmem>>, %arg7: memref<1x128xf32, #tpu.memory_space<vmem>>, %arg8: memref<128x128xf32, #tpu.memory_space<vmem>>, %arg9: memref<1x128xf32, #tpu.memory_space<vmem>>, %arg10: memref<128x128xf32, #tpu.memory_space<vmem>>, %arg11: memref<1x128xf32, #tpu.memory_space<vmem>>, %arg12: memref<1x128xf32, #tpu.memory_space<vmem>>, %arg13: memref<1x128xf32, #tpu.memory_space<vmem>>) attributes {dimension_semantics = [#tpu.dimension_semantics<arbitrary>], iteration_bounds = array<i64: 16>, scalar_prefetch = 0 : i64, scratch_operands = 1 : i64, tpu.core_type = #tpu.core_type<tc>, window_params = [{transform_indices = @transform_0, window_bounds = array<i64: 2, 640, 128>}, {transform_indices = @transform_1, window_bounds = array<i64: 640, 128>}, {transform_indices = @transform_2, window_bounds = array<i64: 640, 1>}, {transform_indices = @transform_3, window_bounds = array<i64: 2, 640, 1>}, {pipeline_mode = #tpu.pipeline_mode<synchronous>, transform_indices = @transform_4, window_bounds = array<i64: 1, 128>}, {pipeline_mode = #tpu.pipeline_mode<synchronous>, transform_indices = @transform_5, window_bounds = array<i64: 128, 128>}, {pipeline_mode = #tpu.pipeline_mode<synchronous>, transform_indices = @transform_6, window_bounds = array<i64: 1, 128>}, {pipeline_mode = #tpu.pipeline_mode<synchronous>, transform_indices = @transform_7, window_bounds = array<i64: 128, 128>}, {pipeline_mode = #tpu.pipeline_mode<synchronous>, transform_indices = @transform_8, window_bounds = array<i64: 1, 128>}, {pipeline_mode = #tpu.pipeline_mode<synchronous>, transform_indices = @transform_9, window_bounds = array<i64: 128, 128>}, {pipeline_mode = #tpu.pipeline_mode<synchronous>, transform_indices = @transform_10, window_bounds = array<i64: 1, 128>}, {pipeline_mode = #tpu.pipeline_mode<synchronous>, transform_indices = @transform_11, window_bounds = array<i64: 1, 128>}]} {
    %get3A = arith.constant 0 : index
    %get3A_0 = arith.constant 0 : index
    %get3A_1 = vector.load %arg3[%get3A, %get3A_0] : memref<640x1xf32, #tpu.memory_space<vmem>>, vector<640x1xf32>
    %get3A_2 = arith.constant 0 : index
    %get3A_3 = arith.constant 0 : index
    %get3A_4 = arith.constant 0 : index
    %get3A_5 = vector.load %arg1[%get3A_2, %get3A_3, %get3A_4] : memref<2x640x128xf32, #tpu.memory_space<vmem>>, vector<1x640x128xf32>
    %get3A_6 = vector.shape_cast %get3A_5 : vector<1x640x128xf32> to vector<640x128xf32>
    %get3A_7 = arith.constant 1 : index
    %get3A_8 = arith.constant 0 : index
    %get3A_9 = arith.constant 0 : index
    %get3A_10 = vector.load %arg1[%get3A_7, %get3A_8, %get3A_9] : memref<2x640x128xf32, #tpu.memory_space<vmem>>, vector<1x640x128xf32>
    %get3A_11 = vector.shape_cast %get3A_10 : vector<1x640x128xf32> to vector<640x128xf32>
    %add3A = arith.addf %get3A_6, %get3A_11 : vector<640x128xf32>
    %get3A_12 = arith.constant 0 : index
    %get3A_13 = arith.constant 0 : index
    %get3A_14 = vector.load %arg2[%get3A_12, %get3A_13] : memref<640x128xf32, #tpu.memory_space<vmem>>, vector<640x128xf32>
    %add3A_15 = arith.addf %add3A, %get3A_14 : vector<640x128xf32>
    %mul3A = vector.broadcast %get3A_1 : vector<640x1xf32> to vector<640x128xf32>
    %mul3A_16 = arith.mulf %mul3A, %add3A_15 : vector<640x128xf32>
    %get3A_17 = arith.constant 0 : index
    %get3A_18 = arith.constant 0 : index
    %get3A_19 = vector.load %arg5[%get3A_17, %get3A_18] : memref<1x128xf32, #tpu.memory_space<vmem>>, vector<1x128xf32>
    %add3A_20 = vector.broadcast %get3A_19 : vector<1x128xf32> to vector<640x128xf32>
    %add3A_21 = arith.addf %mul3A_16, %add3A_20 : vector<640x128xf32>
    %max3A = arith.constant 0.000000e+00 : f32
    %max3A_22 = vector.broadcast %max3A : f32 to vector<640x128xf32>
    %max3A_23 = arith.maximumf %add3A_21, %max3A_22 : vector<640x128xf32>
    %get3A_24 = arith.constant 0 : index
    %get3A_25 = arith.constant 0 : index
    %get3A_26 = arith.constant 0 : index
    %get3A_27 = vector.load %arg4[%get3A_24, %get3A_25, %get3A_26] : memref<2x640x1xf32, #tpu.memory_space<vmem>>, vector<1x640x1xf32>
    %get3A_28 = vector.shape_cast %get3A_27 : vector<1x640x1xf32> to vector<640x1xf32>
    %get3A_29 = arith.constant 1 : index
    %get3A_30 = arith.constant 0 : index
    %get3A_31 = arith.constant 0 : index
    %get3A_32 = vector.load %arg4[%get3A_29, %get3A_30, %get3A_31] : memref<2x640x1xf32, #tpu.memory_space<vmem>>, vector<1x640x1xf32>
    %get3A_33 = vector.shape_cast %get3A_32 : vector<1x640x1xf32> to vector<640x1xf32>
    %add3A_34 = arith.addf %get3A_28, %get3A_33 : vector<640x1xf32>
    %add3A_35 = arith.addf %add3A_34, %get3A_1 : vector<640x1xf32>
    %mul3A_36 = arith.mulf %get3A_1, %add3A_35 : vector<640x1xf32>
    %mul3A_37 = vector.broadcast %mul3A_36 : vector<640x1xf32> to vector<640x128xf32>
    %mul3A_38 = arith.mulf %mul3A_37, %max3A_23 : vector<640x128xf32>
    %reduce_sum3A = arith.constant dense<0.000000e+00> : vector<128xf32>
    %reduce_sum3A_39 = vector.multi_reduction <add>, %mul3A_38, %reduce_sum3A [0] : vector<640x128xf32> to vector<128xf32>
    %broadcast_in_dim3A = vector.shape_cast %reduce_sum3A_39 : vector<128xf32> to vector<1x128xf32>
    %eq3A = arith.constant 0 : i32
    %eq3A_40 = arith.cmpi eq, %arg0, %eq3A : i32
    %convert_element_type3A = arith.extui %eq3A_40 : i1 to i32
    %cond3A = arith.constant 0 : i32
    %cond3A_41 = arith.cmpi ne, %convert_element_type3A, %cond3A : i32
    scf.if %cond3A_41 {
      %broadcast_in_dim3A_53 = arith.constant 0.000000e+00 : f32
      %broadcast_in_dim3A_54 = vector.broadcast %broadcast_in_dim3A_53 : f32 to vector<1x128xf32>
      %swap3A_55 = arith.constant 0 : index
      %swap3A_56 = arith.constant 0 : index
      %swap3A_57 = vector.load %arg13[%swap3A_55, %swap3A_56] : memref<1x128xf32, #tpu.memory_space<vmem>>, vector<1x128xf32>
      tpu.vector_store %arg13[%swap3A_55, %swap3A_56], %broadcast_in_dim3A_54 {strides = array<i32>} : memref<1x128xf32, #tpu.memory_space<vmem>>, vector<1x128xf32>,
    } else {
    }
    %get3A_42 = arith.constant 0 : index
    %get3A_43 = arith.constant 0 : index
    %get3A_44 = vector.load %arg13[%get3A_42, %get3A_43] : memref<1x128xf32, #tpu.memory_space<vmem>>, vector<1x128xf32>
    %add3A_45 = arith.addf %get3A_44, %broadcast_in_dim3A : vector<1x128xf32>
    %swap3A = arith.constant 0 : index
    %swap3A_46 = arith.constant 0 : index
    %swap3A_47 = vector.load %arg13[%swap3A, %swap3A_46] : memref<1x128xf32, #tpu.memory_space<vmem>>, vector<1x128xf32>
    tpu.vector_store %arg13[%swap3A, %swap3A_46], %add3A_45 {strides = array<i32>} : memref<1x128xf32, #tpu.memory_space<vmem>>, vector<1x128xf32>,
    %eq3A_48 = arith.constant 15 : i32
    %eq3A_49 = arith.cmpi eq, %arg0, %eq3A_48 : i32
    %convert_element_type3A_50 = arith.extui %eq3A_49 : i1 to i32
    %cond3A_51 = arith.constant 0 : i32
    %cond3A_52 = arith.cmpi ne, %convert_element_type3A_50, %cond3A_51 : i32
    scf.if %cond3A_52 {
      %get3A_53 = arith.constant 0 : index
      %get3A_54 = arith.constant 0 : index
      %get3A_55 = vector.load %arg13[%get3A_53, %get3A_54] : memref<1x128xf32, #tpu.memory_space<vmem>>, vector<1x128xf32>
      %mul3A_56 = arith.constant 9.99999974E-5 : f32
      %mul3A_57 = vector.broadcast %mul3A_56 : f32 to vector<1x128xf32>
      %mul3A_58 = arith.mulf %get3A_55, %mul3A_57 : vector<1x128xf32>
      %get3A_59 = arith.constant 0 : index
      %get3A_60 = arith.constant 0 : index
      %get3A_61 = vector.load %arg6[%get3A_59, %get3A_60] : memref<128x128xf32, #tpu.memory_space<vmem>>, vector<128x128xf32>
      %dot_general3A = arith.constant dense<0.000000e+00> : vector<1x128xf32>
      %dot_general3A_62 = tpu.matmul %mul3A_58, %get3A_61, %dot_general3A {dimension_numbers = #tpu.dot_dimension_numbers<[1], [0], [0], [1], [0, 0, 1, 1], [], []>, transpose_lhs_hint = false} : vector<1x128xf32>, vector<128x128xf32>, vector<1x128xf32> -> vector<1x128xf32>
      %get3A_63 = arith.constant 0 : index
      %get3A_64 = arith.constant 0 : index
      %get3A_65 = vector.load %arg7[%get3A_63, %get3A_64] : memref<1x128xf32, #tpu.memory_space<vmem>>, vector<1x128xf32>
      %add3A_66 = arith.addf %dot_general3A_62, %get3A_65 : vector<1x128xf32>
      %get3A_67 = arith.constant 0 : index
      %get3A_68 = arith.constant 0 : index
      %get3A_69 = vector.load %arg8[%get3A_67, %get3A_68] : memref<128x128xf32, #tpu.memory_space<vmem>>, vector<128x128xf32>
      %dot_general3A_70 = arith.constant dense<0.000000e+00> : vector<1x128xf32>
      %dot_general3A_71 = tpu.matmul %add3A_66, %get3A_69, %dot_general3A_70 {dimension_numbers = #tpu.dot_dimension_numbers<[1], [0], [0], [1], [0, 0, 1, 1], [], []>, transpose_lhs_hint = false} : vector<1x128xf32>, vector<128x128xf32>, vector<1x128xf32> -> vector<1x128xf32>
      %get3A_72 = arith.constant 0 : index
      %get3A_73 = arith.constant 0 : index
      %get3A_74 = vector.load %arg9[%get3A_72, %get3A_73] : memref<1x128xf32, #tpu.memory_space<vmem>>, vector<1x128xf32>
      %add3A_75 = arith.addf %dot_general3A_71, %get3A_74 : vector<1x128xf32>
      %max3A_76 = arith.constant 0.000000e+00 : f32
      %max3A_77 = vector.broadcast %max3A_76 : f32 to vector<1x128xf32>
      %max3A_78 = arith.maximumf %add3A_75, %max3A_77 : vector<1x128xf32>
      %get3A_79 = arith.constant 0 : index
      %get3A_80 = arith.constant 0 : index
      %get3A_81 = vector.load %arg10[%get3A_79, %get3A_80] : memref<128x128xf32, #tpu.memory_space<vmem>>, vector<128x128xf32>
      %dot_general3A_82 = arith.constant dense<0.000000e+00> : vector<1x128xf32>
      %dot_general3A_83 = tpu.matmul %max3A_78, %get3A_81, %dot_general3A_82 {dimension_numbers = #tpu.dot_dimension_numbers<[1], [0], [0], [1], [0, 0, 1, 1], [], []>, transpose_lhs_hint = false} : vector<1x128xf32>, vector<128x128xf32>, vector<1x128xf32> -> vector<1x128xf32>
      %get3A_84 = arith.constant 0 : index
      %get3A_85 = arith.constant 0 : index
      %get3A_86 = vector.load %arg11[%get3A_84, %get3A_85] : memref<1x128xf32, #tpu.memory_space<vmem>>, vector<1x128xf32>
      %add3A_87 = arith.addf %dot_general3A_83, %get3A_86 : vector<1x128xf32>
      %swap3A_88 = arith.constant 0 : index
      %swap3A_89 = arith.constant 0 : index
      %swap3A_90 = vector.load %arg12[%swap3A_88, %swap3A_89] : memref<1x128xf32, #tpu.memory_space<vmem>>, vector<1x128xf32>
      tpu.vector_store %arg12[%swap3A_88, %swap3A_89], %add3A_87 {strides = array<i32>} : memref<1x128xf32, #tpu.memory_space<vmem>>, vector<1x128xf32>,
    } else {
    }
    return
  }
  func.func @transform_0(%arg0: i32) -> (i32, i32, i32) {
    %c0_i32 = arith.constant 0 : i32
    %c0_i32_0 = arith.constant 0 : i32
    %c0_i32_1 = arith.constant 0 : i32
    return %c0_i32, %arg0, %c0_i32_0 : i32, i32, i32
  }
  func.func @transform_1(%arg0: i32) -> (i32, i32) {
    %c0_i32 = arith.constant 0 : i32
    %c0_i32_0 = arith.constant 0 : i32
    return %arg0, %c0_i32 : i32, i32
  }
  func.func @transform_2(%arg0: i32) -> (i32, i32) {
    %c0_i32 = arith.constant 0 : i32
    %c0_i32_0 = arith.constant 0 : i32
    return %arg0, %c0_i32 : i32, i32
  }
  func.func @transform_3(%arg0: i32) -> (i32, i32, i32) {
    %c0_i32 = arith.constant 0 : i32
    %c0_i32_0 = arith.constant 0 : i32
    %c0_i32_1 = arith.constant 0 : i32
    return %c0_i32, %arg0, %c0_i32_0 : i32, i32, i32
  }
  func.func @transform_4(%arg0: i32) -> (i32, i32) {
    %c0_i32 = arith.constant 0 : i32
    %c0_i32_0 = arith.constant 0 : i32
    %c0_i32_1 = arith.constant 0 : i32
    return %c0_i32, %c0_i32_0 : i32, i32
  }
  func.func @transform_5(%arg0: i32) -> (i32, i32) {
    %c0_i32 = arith.constant 0 : i32
    %c0_i32_0 = arith.constant 0 : i32
    %c0_i32_1 = arith.constant 0 : i32
    return %c0_i32, %c0_i32_0 : i32, i32
  }
  func.func @transform_6(%arg0: i32) -> (i32, i32) {
    %c0_i32 = arith.constant 0 : i32
    %c0_i32_0 = arith.constant 0 : i32
    %c0_i32_1 = arith.constant 0 : i32
    return %c0_i32, %c0_i32_0 : i32, i32
  }
  func.func @transform_7(%arg0: i32) -> (i32, i32) {
    %c0_i32 = arith.constant 0 : i32
    %c0_i32_0 = arith.constant 0 : i32
    %c0_i32_1 = arith.constant 0 : i32
    return %c0_i32, %c0_i32_0 : i32, i32
  }
  func.func @transform_8(%arg0: i32) -> (i32, i32) {
    %c0_i32 = arith.constant 0 : i32
    %c0_i32_0 = arith.constant 0 : i32
    %c0_i32_1 = arith.constant 0 : i32
    return %c0_i32, %c0_i32_0 : i32, i32
  }
  func.func @transform_9(%arg0: i32) -> (i32, i32) {
    %c0_i32 = arith.constant 0 : i32
    %c0_i32_0 = arith.constant 0 : i32
    %c0_i32_1 = arith.constant 0 : i32
    return %c0_i32, %c0_i32_0 : i32, i32
  }
  func.func @transform_10(%arg0: i32) -> (i32, i32) {
    %c0_i32 = arith.constant 0 : i32
    %c0_i32_0 = arith.constant 0 : i32
    %c0_i32_1 = arith.constant 0 : i32
    return %c0_i32, %c0_i32_0 : i32, i32
  }
  func.func @transform_11(%arg0: i32) -> (i32, i32) {
    %c0_i32 = arith.constant 0 : i32
    %c0_i32_0 = arith.constant 0 : i32
    %c0_i32_1 = arith.constant 0 : i32
    return %c0_i32, %c0_i32_0 : i32, i32
  }
}

</mosaic_0001>

<sc_bundles>
// kernel: kernel.11.cloned.1.call-start
scs
__scs_entry_jumppad:
0x0: {  	(pc) =	sbr.rel $0x88, $3  }
0x1: {  	(tag) =	ssettag $0x0;
	lr =	simm.s32 $0x1  }
0x2: {  	[smem:$0x3F95] =	sst lr;
	_ =	strace $0xD0000000  }
0x3: {  	_ = 	snop  }
0x4: {  	_ = 	snop  }
0x5: {  	_ = 	snop  }
0x6: {  	_ = 	snop  }
0x7: {  	_ = 	snop  }
__scs_overlays_trampoline_lowered:
0x8: {  	[smem:$0x3FA4] =	sst s0  }
0x9: {  	[smem:$0x3FA5] =	sst s1  }
0xa: {  	[smem:$0x3FA6] =	sst s2  }
0xb: {  	[smem:$0x3FA7] =	sst s3  }
0xc: {  	[smem:$0x3FA8] =	sst s4  }
0xd: {  	[smem:$0x3FA9] =	sst s5  }
0xe: {  	[smem:$0x3FAA] =	sst s6  }
0xf: {  	[smem:$0x3FAB] =	sst s7  }
0x10: {  	[smem:$0x3FAC] =	sst s8  }
0x11: {  	[smem:$0x3FAD] =	sst s9;
	s0 =	simm.s32 @!p0 $0x0  }
0x12: {  	s1 =	sld [smem:$0x3F93];
	s0 =	simm.s32 @p0 $0x1  }
0x13: {  	[smem:$0x3FAE] =	sst s0;
	s0 =	simm.s32 @!p1 $0x0  }
0x14: {  	s2 =	sld [smem:$0x3F92];
	s0 =	simm.s32 @p1 $0x1  }
0x15: {  	[smem:$0x3FAF] =	sst s0;
	s0 =	simm.s32 @!p2 $0x0  }
0x16: {  	s3 =	sld [smem:$0x3FDB];
	s0 =	simm.s32 @p2 $0x1  }
0x17: {  	s4 =	simm.s32 $0x1BF5;
	[smem:$0x3FB1] =	sst s0  }
0x18: {  	s0 =	sld [smem:$0x3F94];
	_ =	swait.ge [sflag:s4], $0x0  }
0x19: {  	s7 =	sld [smem:$0x3F95]  }
0x1a: {  	s8 =	sadd.s32 $0xFFFFE003, lr  }
0x1b: {  	s9 =	sadd.s32 $0xFFFFFEF7, lr;
	s5 =	simm.s32 $0xFFFFFFFF;
	p2 =	slt.u32 s8, $0xFFFFF086  }
0x1c: {  	p1 =	slt.u32 s9, $0xF7A;
	s5 =	simm.s32 @!p2 $0x0  }
0x1d: {  	s5 =	simm.s32 @p1 $0x1;
	p0 =	seq.s32 s7, s2  }
0x1e: {  	s7 =	smul.u32 @!p0 $0xF7A, s2;
	p2 =	seq.s32 @!p0 s5, $0x0  }
0x1f: {  	s9 =	smul.u32 $0xF7A, s1;
	s8 =	simm.s32 @!p0 $0x1BF5;
	p2 =	por !p2, p0  }
0x20: {  	[sflag:s8] =	ssyncset.s32 @!p0 $0xFFFFF086;
	s6 =	sadd.s32 @!p0 s3, s7;
	s7 =	simm.s32 @!p0 $0x108  }
0x21: {  	s3 =	sadd.s32 s3, s9;
	s6 =	sadd.s32 @!p0 $0x88, s6;
	s7 =	simm.s32 @p2 $0x1082  }
0x22: {  	[simem:s7], [sflag:s8] =	dma.local @!p0 [hbm:s6], $0xF7A  }
0x23: {  	s9 =	sor.u32 $0xD0000000, s2;
	s6 =	simm.s32 $0x108;
	_ =	swait.ge @!p0 [sflag:s8], $0x0  }
0x24: {  	s3 =	sadd.s32 $0x88, s3;
	s6 =	simm.s32 @!p1 $0x1082;
	[sflag:s4] =	ssyncset.s32 $0xFFFFF086  }
0x25: {  	[simem:s6], [sflag:s4] =	dma.local [hbm:s3], $0xF7A  }
0x26: {  	[smem:$0x3F95] =	sst s1;
	(tag) =	ssettag s2;
	_ =	strace s9  }
0x27: {  	s1 =	sld [smem:$0x3FA5]  }
0x28: {  	s2 =	sld [smem:$0x3FA6]  }
0x29: {  	s4 =	sld [smem:$0x3FA8]  }
0x2a: {  	p0 =	seq.s32 s5, $0x0;
	s5 =	sld [smem:$0x3FA9]  }
0x2b: {  	s6 =	sld [smem:$0x3FAA]  }
0x2c: {  	s7 =	sld [smem:$0x3FAB]  }
0x2d: {  	s3 =	simm.s32 $0x108;
	s8 =	sld [smem:$0x3FAC]  }
0x2e: {  	s3 =	simm.s32 @!p0 $0x1082;
	s9 =	sld [smem:$0x3FAD]  }
0x2f: {  	lr =	sadd.s32 s0, s3;
	s0 =	sld [smem:$0x3FA4]  }
0x30: {  	s3 =	sld [smem:$0x3FA7]  }
0x31: {  	[smem:$0x3FB0] =	sst s10  }
0x32: {  	s10 =	sld [smem:$0x3FAE];
	_ =	sdelay $0x3  }
0x33: {  	p0 =	seq.s32 s10, $0x1;
	s10 =	sld [smem:$0x3FB0];
	_ =	sdelay $0x3  }
0x34: {  	[smem:$0x3FB0] =	sst s10  }
0x35: {  	s10 =	sld [smem:$0x3FAF];
	_ =	sdelay $0x3  }
0x36: {  	p1 =	seq.s32 s10, $0x1;
	s10 =	sld [smem:$0x3FB0];
	_ =	sdelay $0x3  }
0x37: {  	[smem:$0x3FB0] =	sst s10  }
0x38: {  	s10 =	sld [smem:$0x3FB1]  }
0x39: {  	_ = 	snop;
	(pc) =	sbr.ind lr, $3  }
0x3a: {  	_ = 	snop  }
0x3b: {  	_ = 	snop  }
0x3c: {  	p2 =	seq.s32 s10, $0x1;
	s10 =	sld [smem:$0x3FB0]  }
0x3d: {  	_ =	shalt  }
0x3e: {  	_ =	shalt  }
0x3f: {  	_ =	shalt  }
0x40: {  	_ =	shalt  }
0x41: {  	_ =	shalt  }
0x42: {  	_ =	shalt  }
0x43: {  	_ =	shalt  }
0x44: {  	_ =	shalt  }
0x45: {  	_ =	shalt  }
0x46: {  	_ =	shalt  }
0x47: {  	_ =	shalt  }
0x48: {  	_ =	shalt  }
0x49: {  	_ =	shalt  }
0x4a: {  	_ =	shalt  }
0x4b: {  	_ =	shalt  }
0x4c: {  	_ =	shalt  }
0x4d: {  	_ =	shalt  }
0x4e: {  	_ =	shalt  }
0x4f: {  	_ =	shalt  }
0x50: {  	_ =	shalt  }
0x51: {  	_ =	shalt  }
0x52: {  	_ =	shalt  }
0x53: {  	_ =	shalt  }
0x54: {  	_ =	shalt  }
0x55: {  	_ =	shalt  }
0x56: {  	_ =	shalt  }
0x57: {  	_ =	shalt  }
0x58: {  	_ =	shalt  }
0x59: {  	_ =	shalt  }
0x5a: {  	_ =	shalt  }
0x5b: {  	_ =	shalt  }
0x5c: {  	_ =	shalt  }
0x5d: {  	_ =	shalt  }
0x5e: {  	_ =	shalt  }
0x5f: {  	_ =	shalt  }
0x60: {  	_ =	shalt  }
0x61: {  	_ =	shalt  }
0x62: {  	_ =	shalt  }
0x63: {  	_ =	shalt  }
0x64: {  	_ =	shalt  }
0x65: {  	_ =	shalt  }
0x66: {  	_ =	shalt  }
0x67: {  	_ =	shalt  }
0x68: {  	_ =	shalt  }
0x69: {  	_ =	shalt  }
0x6a: {  	_ =	shalt  }
0x6b: {  	_ =	shalt  }
0x6c: {  	_ =	shalt  }
0x6d: {  	_ =	shalt  }
0x6e: {  	_ =	shalt  }
0x6f: {  	_ =	shalt  }
0x70: {  	_ =	shalt  }
0x71: {  	_ =	shalt  }
0x72: {  	_ =	shalt  }
0x73: {  	_ =	shalt  }
0x74: {  	_ =	shalt  }
0x75: {  	_ =	shalt  }
0x76: {  	_ =	shalt  }
0x77: {  	_ =	shalt  }
0x78: {  	_ =	shalt  }
0x79: {  	_ =	shalt  }
0x7a: {  	_ =	shalt  }
0x7b: {  	_ =	shalt  }
0x7c: {  	_ =	shalt  }
0x7d: {  	_ =	shalt  }
0x7e: {  	_ =	shalt  }
0x7f: {  	_ =	shalt  }
0x80: {  	_ =	shalt  }
0x81: {  	_ =	shalt  }
0x82: {  	_ =	shalt  }
0x83: {  	_ =	shalt  }
0x84: {  	_ =	shalt  }
0x85: {  	_ =	shalt  }
0x86: {  	_ =	shalt  }
0x87: {  	_ =	shalt  }
.Lfunc_end0:
.L_simem_size_0:
called_computation.1_lowered:
.L_overlay_start_0:
0x88: {  	s2 =	sld [smem:$0x3FD9]  }
0x89: {  	s3 =	sld [smem:$0x3FFE];
	_ =	sdelay $0x1  }
0x8a: {  	s1 =	srdreg.scid  }
0x8b: {  	s0 =	sand.u32 $0x1, s1  }
0x8c: {  	s16 =	sshll.u32 s0, $0xA;
	s2 =	sadd.s32 s3, s2  }
0x8d: {  	s2 =	sadd.s32 s2, s16  }
0x8e: {  	[smem:$0x3FBC] =	sst s2  }
0x8f: {  	_ = 	snop  }
0x90: {  	(tm) =	ssettm $0x1  }
0x91: {  	s17 =	sld [smem:$0x3FFB];
	_ =	sdelay $0x3  }
0x92: {  	_ =	strace s17  }
0x93: {  	s2 =	sld [smem:$0x3FFC];
	_ =	sdelay $0x3  }
0x94: {  	_ =	strace s2  }
0x95: {  	s2 =	sld [smem:$0x3FFD];
	_ =	sdelay $0x3  }
0x96: {  	_ =	strace s2  }
0x97: {  	_ =	strace $0x8FFFFFFF  }
0x98: {  	s18 =	sld [smem:$0x3FDB];
	_ =	sdelay $0x1  }
0x99: {  	s19 =	simm.s32 $_scs_section_size  }
0x9a: {  	s4 =	simm.s32 $_size__tile_overlayer_lowered;
	s5 =	simm.s32 $_tile_overlayer_lowered  }
0x9b: {  	s22 =	simm.s32 $0x1BFF;
	s21 =	sshll.u32 s5, $0x1;
	s2 =	sadd.s32 s19, s18  }
0x9c: {  	s6 =	simm.s32 $0x0;
	s20 =	sshll.u32 s4, $0x1;
	s4 =	sadd.s32 s21, s2  }
0x9d: {  	[timem:s6], [sflag:s22] =	dma.local [hbm:s4], s20  }
0x9e: {  	_ =	swait.ge [sflag:s22], s20  }
0x9f: {  	s3 =	ssub.s32 $0x0, s20;
	[sflag:s22] =	ssyncset.done $0x0  }
0xa0: {  	[sflag:s22] =	ssyncadd.s32 s3;
	_ =	sdelay $0x1  }
0xa1: {  	s23 =	simm.s32 $0x1B8B  }
0xa2: {  	_ =	swait.ge [sflag:s23], $0x1  }
0xa3: {  	[sflag:s23] =	ssyncset.done $0x0  }
0xa4: {  	s25 =	simm.s32 $0x1B8E;
	s24 =	sld [smem:$0x3FFE];
	[sflag:s23] =	ssyncadd.s32 $0xFFFFFFFF  }
0xa5: {  	s26 =	simm.s32 $execute0_lowered;
	[smem:$0x3FD2] =	sst s25  }
0xa6: {  	s4 =	sshll.u32 s26, $0x1;
	_ =	strace $0x80000049;
	[dreg:$0x1] =	wrdreg $0xFFFFFFFF  }
0xa7: {  	s28 =	simm.s32 $_size_execute0_lowered;
	s2 =	sadd.s32 s2, s4;
	[dreg:$0x0] =	wrdreg $0x0  }
0xa8: {  	s4 =	sshll.u32 s28, $0x1;
	[dreg:$0x2] =	wrdreg s2  }
0xa9: {  	[dreg:$0x3] =	wrdreg s4  }
0xaa: {  	[dreg:$0x4] =	wrdreg $0xC0  }
0xab: {  	_ =	task [dreg:s6], $0x5FFFF  }
0xac: {  	[dreg:$0x1] =	wrdreg $0xFFFFFFFF  }
0xad: {  	[dreg:$0x0] =	wrdreg $0x60  }
0xae: {  	[dreg:$0x2] =	wrdreg s24  }
0xaf: {  	[dreg:$0x3] =	wrdreg $0xA8000  }
0xb0: {  	[dreg:$0x4] =	wrdreg $0x1E8800  }
0xb1: {  	[dreg:$0x5] =	wrdreg $0x9  }
0xb2: {  	_ =	task.clear_ibuf [dreg:s6], $0x6FFFF;
	_ =	strace $0x90000049  }
0xb3: {  	s29 =	simm.s32 $0x9;
	_ =	strace $0x8000004B  }
0xb4: {  	_ =	swait.ge [sflag:s29], $0x1  }
0xb5: {  	[sflag:s29] =	ssyncadd.s32 $0xFFFFFFFF  }
0xb6: {  	_ =	strace $0x9000004B  }
0xb7: {  	_ =	sfence  }
0xb8: {  	s30 =	sld [smem:$0x0];
	_ =	sdelay $0x2  }
0xb9: {  	s31 =	sshll.u32 s1, $0xD;
	s1 =	sshrl.u32 s1, $0x2  }
0xba: {  	s3 =	sand.u32 $0x4000, s31;
	s1 =	sadd.s32 s1, s30  }
0xbb: {  	s0 =	sor.u32 s3, s0;
	s1 =	sshll.u32 s1, $0x11  }
0xbc: {  	s0 =	sor.u32 s1, s0  }
0xbd: {  	s0 =	sadd.s32 $0x8F2B, s0  }
0xbe: {  	[sflag:s0] =	ssyncadd.remote.s32 $0x1  }
0xbf: {  	_ =	sfence.sel $0xFFFF  }
0xc0: {  	[dreg:$0x0] =	wrdreg $0xFFFFFFFF;
	(pc) =	sbr.abs _section_cstart, $3  }
0xc1: {  	[dreg:$0x1] =	wrdreg $0xFFFFFFFF  }
0xc2: {  	_ =	task.clear_ibuf [dreg:s6], $0x2FFFF;
	_ =	strace $0x9FFFFFFF  }
0xc3: {  	(tm) =	ssettm $0x7FFFFFFF  }
tec
execute0_lowered:
.L_overlay_start_1:
0x0: {  	(tag) =	ssettag $0x1  }
0x1: {  	s0 =	rddreg [dreg:$0x0]  }
0x2: {  	s2 =	rddreg [dreg:$0x1];
	s1 =	stileid.u32  }
0x3: {  	s3 =	rddreg [dreg:$0x2];
	s4 =	simm.s32 $0x0;
	s6 =	smul.u32 $0x680, s1  }
0x4: {  	s20 =	srdreg.scid;
	s28 =	simm.s32 $0x10;
	s7 =	smul.u32 $0x14000, s1  }
0x5: {  	s29 =	simm.s32 $0x0;
	[smem:$0x7FF] =	sst s4;
	s10 =	smul.u32 $0x280, s1  }
0x6: {  	s5 =	sadd.s32 $0x19200, s0;
	s8 =	sshll.u32 s1, $0xA;
	s11 =	smul.u32 $0x500, s1  }
0x7: {  	s18 =	sand.u32 $0x1, s20;
	s26 =	smul.u32 $0x50000, s1;
	s31 =	sshll.u32 s1, $0x6  }
0x8: {  	_ =	strace $0x8000004A;
	s12 =	sadd.s32 s8, s0;
	s9 =	smul.u32 $0x140000, s18  }
0x9: {  	s22 =	sshll.u32 s18, $0x7;
	s24 =	ssub.s32 $0x2, s18;
	p0 =	seq.s32 s18, $0x0  }
0xa: {  	s14 =	sadd.s32 s6, s0;
	s21 =	sshrl.u32 s7, $0x3;
	s6 =	sadd.s32 $0xE000, s0  }
0xb: {  	s13 =	sshrl.u32 s10, $0x3;
	s25 =	sshrl.u32 s24, $0x1;
	s30 =	sshrl.u32 s26, $0x2  }
0xc: {  	s20 =	sadd.s32 s10, s3;
	s26 =	simm.s32 $0x20;
	s8 =	sadd.s32 s21, s0  }
0xd: {  	s7 =	sadd.s32 s7, s9;
	s13 =	sadd.s32 s13, s0;
	s9 =	sor.u32 s22, s11  }
0xe: {  	s17 =	ssub.s32 s24, s25;
	s19 =	sadd.s32 s30, s2;
	s11 =	sadd.s32 $0xEA00, s12  }
0xf: {  	s12 =	sadd.s32 $0x3200, s12;
	s20 =	sshrl.u32 s20, $0x3;
	s21 =	simm.s32 $0x80  }
0x10: {  	s22 =	simm.s32 $0x6800;
	s24 =	simm.s32 $0x1;
	s25 =	simm.s32 $0x2  }
0x11: {  	s7 =	sshrl.u32 s7, $0x3;
	s23 =	sshrl.u32 s9, $0x3;
	s8 =	sadd.s32 $0x41200, s8  }
0x12: {  	s9 =	sor.u32 $0x1C03, s31;
	s10 =	sadd.s32 $0xDA00, s13;
	s13 =	sadd.s32 $0x12A00, s14  }
0x13: {  	s14 =	sadd.s32 $0x7200, s14;
	s17 =	smax.u32 s17, $0x1;
	s15 =	sadd.s32 s7, s0  }
0x14: {  	s0 =	sadd.s32 s23, s0;
	s7 =	simm.s32 $0x61;
	s23 =	simm.s32 $0x1E800  }
0x15: {  	s7 =	simm.s32 @!p0 $0x3C;
	s15 =	sadd.s32 $0x69200, s15;
	s16 =	sadd.s32 $0xB9200, s0  }
0x16: {  	p0 =	sne.s32 s18, $0x0;
	s18 =	sshrl.u32 s19, $0x3;
	s19 =	simm.s32 $0x3  }
.LBB2_1:
0x17: {  	[spmem:s18], [sflag:s9] =	dma.local [hbm:s8], $0x2800  }
0x18: {  	_ =	swait.ge [sflag:s19], $0x2800  }
0x19: {  	[sflag:s19] =	ssyncset.done $0x0  }
0x1a: {  	[sflag:s19] =	ssyncadd.s32 $0xFFFFD800  }
0x1b: {  	[spmem:s20], [sflag:s9] =	dma.local [hbm:s10], $0x50  }
0x1c: {  	_ =	swait.ge [sflag:s19], $0x50  }
0x1d: {  	[sflag:s19] =	ssyncset.done $0x0  }
0x1e: {  	s0 =	simm.s32 @p0 $0x0;
	s30 =	simm.s32 @p0 $0x3;
	[sflag:s19] =	ssyncadd.s32 $0xFFFFFFB0  }
0x1f: {  	[tilespmem:s0], [sflag:$0x3] =	stream.linear.gather @p0 [hbm4b:s11+s0], $0x1E00, $0x38;
	[tilespmem:$0x1EB00] =	vst v63  }
0x20: {  	_ =	swait.ge @p0 [sflag:s30], $0x1E00  }
0x21: {  	[sflag:s30] =	ssyncset.done @p0 $0x0  }
0x22: {  	s31 =	simm.s32 @p0 $0x3400;
	[sflag:s30] =	ssyncadd.s32 @p0 $0xFFFFE200  }
0x23: {  	[tilespmem:s31], [sflag:$0x3] =	stream.linear.gather @p0 [hbm4b:s12+s0], $0x1E00, $0x38;
	[tilespmem:$0x1EB00] =	vst v63  }
0x24: {  	_ =	swait.ge @p0 [sflag:s30], $0x1E00  }
0x25: {  	[sflag:s30] =	ssyncset.done @p0 $0x0  }
0x26: {  	s0 =	simm.s32 @!p0 $0x0;
	[sflag:s30] =	ssyncadd.s32 @p0 $0xFFFFE200;
	s30 =	simm.s32 @!p0 $0x3  }
0x27: {  	[tilespmem:s0], [sflag:$0x3] =	stream.linear.gather @!p0 [hbm4b:s13+s0], $0x3080, $0x38;
	[tilespmem:$0x1EB00] =	vst v63  }
0x28: {  	_ =	swait.ge @!p0 [sflag:s30], $0x3080  }
0x29: {  	[sflag:s30] =	ssyncset.done @!p0 $0x0  }
0x2a: {  	s31 =	simm.s32 @!p0 $0x3400;
	[sflag:s30] =	ssyncadd.s32 @!p0 $0xFFFFCF80  }
0x2b: {  	[tilespmem:s31], [sflag:$0x3] =	stream.linear.gather @!p0 [hbm4b:s14+s0], $0x3080, $0x38;
	[tilespmem:$0x1EB00] =	vst v63  }
0x2c: {  	_ =	swait.ge @!p0 [sflag:s30], $0x3080  }
0x2d: {  	[sflag:s30] =	ssyncset.done @!p0 $0x0  }
0x2e: {  	[sflag:s30] =	ssyncadd.s32 @!p0 $0xFFFFCF80  }
0x2f: {  	[bflag:$0x0] =	sbarrier.arrive $0xFFFF  }
0x30: {  	[tilespmem:s22], [sflag:$0x1] =	stream.indirect.gather [hbm4b:s5+s21], $0x80, s4, s21, $0xb8;
	[tilespmem:$0x1EB00] =	vst v63  }
0x31: {  	s30 =	simm.s32 $0x3400  }
0x32: {  	[tilespmem:s23], [sflag:$0x2] =	stream.indirect.gather [hbm4b:s6+s21], $0x1, s30, s21, $0xb8;
	[tilespmem:$0x1EB00] =	vst v63  }
0x33: {  	_ =	swait.ge [sflag:s24], $0x4000  }
0x34: {  	[sflag:s24] =	ssyncset.done $0x0  }
0x35: {  	[sflag:s24] =	ssyncadd.s32 $0xFFFFC000  }
0x36: {  	[spmem:s2] =	stream.indirect.scatter.add.f32 [tilespmem:s22], [sflag:$0x3], $0x80, s30, s21, $0xb8;
	[tilespmem:$0x1EB00] =	vst v63  }
0x37: {  	_ =	swait.ge [sflag:s19], $0x4000  }
0x38: {  	[sflag:s19] =	ssyncset.done $0x0  }
0x39: {  	[sflag:s19] =	ssyncadd.s32 $0xFFFFC000  }
0x3a: {  	p1 =	sne.s32 s7, $0x1;
	_ =	swait.ge [sflag:s25], $0x80  }
.Ltmp0:
0x3b: {  	[sflag:s25] =	ssyncset.done $0x0;
	(pc) =	sbr.rel @!p1 .LBB2_3-.Ltmp0, $4  }
0x3c: {  	[sflag:s25] =	ssyncadd.s32 $0xFFFFFF80  }
0x3d: {  	[spmem:s3] =	stream.indirect.scatter.add.f32 [tilespmem:s23], [sflag:$0x3], $0x1, s4, s21, $0xb8;
	[tilespmem:$0x1EB00] =	vst v63  }
0x3e: {  	_ =	swait.ge [sflag:s19], $0x80  }
0x3f: {  	s31 =	sadd.s32 $0xFFFFFFFF, s7;
	s0 =	simm.s32 $0x0;
	[sflag:s19] =	ssyncset.done $0x0  }
.LBB2_2:
0x40: {  	[sflag:s19] =	ssyncadd.s32 $0xFFFFFF80;
	s0 =	sadd.s32 $0x80, s0;
	s30 =	sadd.s32 $0x80, s30  }
0x41: {  	[tilespmem:s22], [sflag:$0x1] =	stream.indirect.gather [hbm4b:s5+s21], $0x80, s0, s21, $0xb8;
	[tilespmem:$0x1EB00] =	vst v63  }
0x42: {  	p1 =	sne.s32 s31, $0x1;
	s31 =	sadd.s32 $0xFFFFFFFF, s31  }
0x43: {  	[tilespmem:s23], [sflag:$0x2] =	stream.indirect.gather [hbm4b:s6+s21], $0x1, s30, s21, $0xb8;
	[tilespmem:$0x1EB00] =	vst v63  }
0x44: {  	_ =	swait.ge [sflag:s24], $0x4000  }
0x45: {  	[sflag:s24] =	ssyncset.done $0x0  }
0x46: {  	[sflag:s24] =	ssyncadd.s32 $0xFFFFC000  }
0x47: {  	[spmem:s2] =	stream.indirect.scatter.add.f32 [tilespmem:s22], [sflag:$0x3], $0x80, s30, s21, $0xb8;
	[tilespmem:$0x1EB00] =	vst v63  }
0x48: {  	_ =	swait.ge [sflag:s19], $0x4000  }
0x49: {  	[sflag:s19] =	ssyncset.done $0x0  }
0x4a: {  	[sflag:s19] =	ssyncadd.s32 $0xFFFFC000  }
0x4b: {  	_ =	swait.ge [sflag:s25], $0x80  }
.Ltmp1:
0x4c: {  	[sflag:s25] =	ssyncset.done $0x0;
	(pc) =	sbr.rel @p1 .LBB2_2-.Ltmp1, $4  }
0x4d: {  	[sflag:s25] =	ssyncadd.s32 $0xFFFFFF80  }
0x4e: {  	[spmem:s3] =	stream.indirect.scatter.add.f32 [tilespmem:s23], [sflag:$0x3], $0x1, s0, s21, $0xb8;
	[tilespmem:$0x1EB00] =	vst v63  }
0x4f: {  	_ =	swait.ge [sflag:s19], $0x80  }
0x50: {  	[sflag:s19] =	ssyncset.done $0x0  }
.LBB2_3:
0x51: {  	[sflag:s19] =	ssyncadd.s32 $0xFFFFFF80  }
0x52: {  	[bflag:$0x0] =	sbarrier.arrive $0xFFFF  }
0x53: {  	[hbm:s15], [sflag:s9] =	dma.local [spmem:s18], $0x2800  }
0x54: {  	s29 =	sadd.s32 $0x1, s29;
	_ =	swait.ge [sflag:s19], $0x2800  }
0x55: {  	p1 =	sne.s32 s29, s17;
	[sflag:s19] =	ssyncset.done $0x0  }
.Ltmp2:
0x56: {  	[sflag:s19] =	ssyncadd.s32 $0xFFFFD800;
	(pc) =	sbr.rel @p1 .LBB2_1-.Ltmp2, $4  }
0x57: {  	[hbm:s16@s26], [sflag:s9] =	dma.strided [spmem:s20@s28], $0x50, s24, $0x10   }
0x58: {  	_ =	swait.ge [sflag:s19], $0x50  }
0x59: {  	[sflag:s19] =	ssyncset.done $0x0  }
0x5a: {  	[sflag:s19] =	ssyncadd.s32 $0xFFFFFFB0  }
0x5b: {  	_ =	sfence.sel $0x180000  }
0x5c: {  	[bflag:$0x0] =	sbarrier.arrive $0xFFFF  }
0x5d: {  	_ =	strace $0x9000004A  }
0x5e: {  	[bflag:$0x2] =	sbarrier.arrive $0xFFFF  }
0x5f: {  	p0 =	sne.s32 s1, $0x0;
	s0 =	rddreg [dreg:$0x3]  }
0x60: {  	s0 =	sadd.s32 @!p0 $0x100000, s0  }
0x61: {  	[sflag:s0] =	ssyncadd.tile.s32 @!p0 $0x1;
	_ =	shalt  }
.Lfunc_end2:
_tile_overlayer_lowered:
.L_overlay_start_2:
0x62: {  	(tag) =	ssettag $0x2  }
0x63: {  	s0 =	rddreg [dreg:$0x0];
	s2 =	stileid.u32  }
0x64: {  	s1 =	rddreg [dreg:$0x1];
	p0 =	sne.s32 s2, $0x0  }
0x65: {  	s3 =	rddreg [dreg:$0x2];
	[bflag:$0x3] =	sbarrier.arrive $0xFFFF;
	s2 =	simm.s32 @!p0 $0x1C03  }
0x66: {  	[timem:s3], [sflag:s2] =	dma.local @!p0 [hbm:s0], s1  }
0x67: {  	s0 =	simm.s32 @!p0 $0x3  }
0x68: {  	_ =	swait.ge @!p0 [sflag:s0], s1  }
0x69: {  	s1 =	ssub.s32 @!p0 $0x0, s1;
	[sflag:s0] =	ssyncset.done @!p0 $0x0  }
0x6a: {  	[sflag:s0] =	ssyncadd.s32 @!p0 s1  }
0x6b: {  	[bflag:$0x3] =	sbarrier.arrive $0xFFFF  }
0x6c: {  	_ =	shalt  }

// kernel: kernel.14.cloned.1.call-start
scs
__scs_entry_jumppad:
0x0: {  	(pc) =	sbr.rel $0x88, $3  }
0x1: {  	(tag) =	ssettag $0x0;
	lr =	simm.s32 $0x1  }
0x2: {  	[smem:$0x3F95] =	sst lr;
	_ =	strace $0xD0000000  }
0x3: {  	_ = 	snop  }
0x4: {  	_ = 	snop  }
0x5: {  	_ = 	snop  }
0x6: {  	_ = 	snop  }
0x7: {  	_ = 	snop  }
__scs_overlays_trampoline_lowered:
0x8: {  	[smem:$0x3FA4] =	sst s0  }
0x9: {  	[smem:$0x3FA5] =	sst s1  }
0xa: {  	[smem:$0x3FA6] =	sst s2  }
0xb: {  	[smem:$0x3FA7] =	sst s3  }
0xc: {  	[smem:$0x3FA8] =	sst s4  }
0xd: {  	[smem:$0x3FA9] =	sst s5  }
0xe: {  	[smem:$0x3FAA] =	sst s6  }
0xf: {  	[smem:$0x3FAB] =	sst s7  }
0x10: {  	[smem:$0x3FAC] =	sst s8  }
0x11: {  	[smem:$0x3FAD] =	sst s9;
	s0 =	simm.s32 @!p0 $0x0  }
0x12: {  	s1 =	sld [smem:$0x3F93];
	s0 =	simm.s32 @p0 $0x1  }
0x13: {  	[smem:$0x3FAE] =	sst s0;
	s0 =	simm.s32 @!p1 $0x0  }
0x14: {  	s2 =	sld [smem:$0x3F92];
	s0 =	simm.s32 @p1 $0x1  }
0x15: {  	[smem:$0x3FAF] =	sst s0;
	s0 =	simm.s32 @!p2 $0x0  }
0x16: {  	s3 =	sld [smem:$0x3FDB];
	s0 =	simm.s32 @p2 $0x1  }
0x17: {  	s4 =	simm.s32 $0x1BF5;
	[smem:$0x3FB1] =	sst s0  }
0x18: {  	s0 =	sld [smem:$0x3F94];
	_ =	swait.ge [sflag:s4], $0x0  }
0x19: {  	s7 =	sld [smem:$0x3F95]  }
0x1a: {  	s8 =	sadd.s32 $0xFFFFE003, lr  }
0x1b: {  	s9 =	sadd.s32 $0xFFFFFEF7, lr;
	s5 =	simm.s32 $0xFFFFFFFF;
	p2 =	slt.u32 s8, $0xFFFFF086  }
0x1c: {  	p1 =	slt.u32 s9, $0xF7A;
	s5 =	simm.s32 @!p2 $0x0  }
0x1d: {  	s5 =	simm.s32 @p1 $0x1;
	p0 =	seq.s32 s7, s2  }
0x1e: {  	s7 =	smul.u32 @!p0 $0xF7A, s2;
	p2 =	seq.s32 @!p0 s5, $0x0  }
0x1f: {  	s9 =	smul.u32 $0xF7A, s1;
	s8 =	simm.s32 @!p0 $0x1BF5;
	p2 =	por !p2, p0  }
0x20: {  	[sflag:s8] =	ssyncset.s32 @!p0 $0xFFFFF086;
	s6 =	sadd.s32 @!p0 s3, s7;
	s7 =	simm.s32 @!p0 $0x108  }
0x21: {  	s3 =	sadd.s32 s3, s9;
	s6 =	sadd.s32 @!p0 $0x88, s6;
	s7 =	simm.s32 @p2 $0x1082  }
0x22: {  	[simem:s7], [sflag:s8] =	dma.local @!p0 [hbm:s6], $0xF7A  }
0x23: {  	s9 =	sor.u32 $0xD0000000, s2;
	s6 =	simm.s32 $0x108;
	_ =	swait.ge @!p0 [sflag:s8], $0x0  }
0x24: {  	s3 =	sadd.s32 $0x88, s3;
	s6 =	simm.s32 @!p1 $0x1082;
	[sflag:s4] =	ssyncset.s32 $0xFFFFF086  }
0x25: {  	[simem:s6], [sflag:s4] =	dma.local [hbm:s3], $0xF7A  }
0x26: {  	[smem:$0x3F95] =	sst s1;
	(tag) =	ssettag s2;
	_ =	strace s9  }
0x27: {  	s1 =	sld [smem:$0x3FA5]  }
0x28: {  	s2 =	sld [smem:$0x3FA6]  }
0x29: {  	s4 =	sld [smem:$0x3FA8]  }
0x2a: {  	p0 =	seq.s32 s5, $0x0;
	s5 =	sld [smem:$0x3FA9]  }
0x2b: {  	s6 =	sld [smem:$0x3FAA]  }
0x2c: {  	s7 =	sld [smem:$0x3FAB]  }
0x2d: {  	s3 =	simm.s32 $0x108;
	s8 =	sld [smem:$0x3FAC]  }
0x2e: {  	s3 =	simm.s32 @!p0 $0x1082;
	s9 =	sld [smem:$0x3FAD]  }
0x2f: {  	lr =	sadd.s32 s0, s3;
	s0 =	sld [smem:$0x3FA4]  }
0x30: {  	s3 =	sld [smem:$0x3FA7]  }
0x31: {  	[smem:$0x3FB0] =	sst s10  }
0x32: {  	s10 =	sld [smem:$0x3FAE];
	_ =	sdelay $0x3  }
0x33: {  	p0 =	seq.s32 s10, $0x1;
	s10 =	sld [smem:$0x3FB0];
	_ =	sdelay $0x3  }
0x34: {  	[smem:$0x3FB0] =	sst s10  }
0x35: {  	s10 =	sld [smem:$0x3FAF];
	_ =	sdelay $0x3  }
0x36: {  	p1 =	seq.s32 s10, $0x1;
	s10 =	sld [smem:$0x3FB0];
	_ =	sdelay $0x3  }
0x37: {  	[smem:$0x3FB0] =	sst s10  }
0x38: {  	s10 =	sld [smem:$0x3FB1]  }
0x39: {  	_ = 	snop;
	(pc) =	sbr.ind lr, $3  }
0x3a: {  	_ = 	snop  }
0x3b: {  	_ = 	snop  }
0x3c: {  	p2 =	seq.s32 s10, $0x1;
	s10 =	sld [smem:$0x3FB0]  }
0x3d: {  	_ =	shalt  }
0x3e: {  	_ =	shalt  }
0x3f: {  	_ =	shalt  }
0x40: {  	_ =	shalt  }
0x41: {  	_ =	shalt  }
0x42: {  	_ =	shalt  }
0x43: {  	_ =	shalt  }
0x44: {  	_ =	shalt  }
0x45: {  	_ =	shalt  }
0x46: {  	_ =	shalt  }
0x47: {  	_ =	shalt  }
0x48: {  	_ =	shalt  }
0x49: {  	_ =	shalt  }
0x4a: {  	_ =	shalt  }
0x4b: {  	_ =	shalt  }
0x4c: {  	_ =	shalt  }
0x4d: {  	_ =	shalt  }
0x4e: {  	_ =	shalt  }
0x4f: {  	_ =	shalt  }
0x50: {  	_ =	shalt  }
0x51: {  	_ =	shalt  }
0x52: {  	_ =	shalt  }
0x53: {  	_ =	shalt  }
0x54: {  	_ =	shalt  }
0x55: {  	_ =	shalt  }
0x56: {  	_ =	shalt  }
0x57: {  	_ =	shalt  }
0x58: {  	_ =	shalt  }
0x59: {  	_ =	shalt  }
0x5a: {  	_ =	shalt  }
0x5b: {  	_ =	shalt  }
0x5c: {  	_ =	shalt  }
0x5d: {  	_ =	shalt  }
0x5e: {  	_ =	shalt  }
0x5f: {  	_ =	shalt  }
0x60: {  	_ =	shalt  }
0x61: {  	_ =	shalt  }
0x62: {  	_ =	shalt  }
0x63: {  	_ =	shalt  }
0x64: {  	_ =	shalt  }
0x65: {  	_ =	shalt  }
0x66: {  	_ =	shalt  }
0x67: {  	_ =	shalt  }
0x68: {  	_ =	shalt  }
0x69: {  	_ =	shalt  }
0x6a: {  	_ =	shalt  }
0x6b: {  	_ =	shalt  }
0x6c: {  	_ =	shalt  }
0x6d: {  	_ =	shalt  }
0x6e: {  	_ =	shalt  }
0x6f: {  	_ =	shalt  }
0x70: {  	_ =	shalt  }
0x71: {  	_ =	shalt  }
0x72: {  	_ =	shalt  }
0x73: {  	_ =	shalt  }
0x74: {  	_ =	shalt  }
0x75: {  	_ =	shalt  }
0x76: {  	_ =	shalt  }
0x77: {  	_ =	shalt  }
0x78: {  	_ =	shalt  }
0x79: {  	_ =	shalt  }
0x7a: {  	_ =	shalt  }
0x7b: {  	_ =	shalt  }
0x7c: {  	_ =	shalt  }
0x7d: {  	_ =	shalt  }
0x7e: {  	_ =	shalt  }
0x7f: {  	_ =	shalt  }
0x80: {  	_ =	shalt  }
0x81: {  	_ =	shalt  }
0x82: {  	_ =	shalt  }
0x83: {  	_ =	shalt  }
0x84: {  	_ =	shalt  }
0x85: {  	_ =	shalt  }
0x86: {  	_ =	shalt  }
0x87: {  	_ =	shalt  }
.Lfunc_end0:
.L_simem_size_0:
called_computation.2_lowered:
.L_overlay_start_0:
0x88: {  	s2 =	sld [smem:$0x3FD9]  }
0x89: {  	s3 =	sld [smem:$0x3FFE];
	_ =	sdelay $0x1  }
0x8a: {  	s1 =	srdreg.scid  }
0x8b: {  	s0 =	sand.u32 $0x1, s1  }
0x8c: {  	s16 =	sshll.u32 s0, $0xA;
	s2 =	sadd.s32 s3, s2  }
0x8d: {  	s2 =	sadd.s32 s2, s16  }
0x8e: {  	[smem:$0x3FBC] =	sst s2  }
0x8f: {  	_ = 	snop  }
0x90: {  	(tm) =	ssettm $0x1  }
0x91: {  	s17 =	sld [smem:$0x3FFB];
	_ =	sdelay $0x3  }
0x92: {  	_ =	strace s17  }
0x93: {  	s2 =	sld [smem:$0x3FFC];
	_ =	sdelay $0x3  }
0x94: {  	_ =	strace s2  }
0x95: {  	s2 =	sld [smem:$0x3FFD];
	_ =	sdelay $0x3  }
0x96: {  	_ =	strace s2  }
0x97: {  	_ =	strace $0x8FFFFFFF  }
0x98: {  	s18 =	sld [smem:$0x3FDB];
	_ =	sdelay $0x1  }
0x99: {  	s19 =	simm.s32 $_scs_section_size  }
0x9a: {  	s4 =	simm.s32 $_size__tile_overlayer_lowered;
	s5 =	simm.s32 $_tile_overlayer_lowered  }
0x9b: {  	s22 =	simm.s32 $0x1BFF;
	s21 =	sshll.u32 s5, $0x1;
	s2 =	sadd.s32 s19, s18  }
0x9c: {  	s6 =	simm.s32 $0x0;
	s20 =	sshll.u32 s4, $0x1;
	s4 =	sadd.s32 s21, s2  }
0x9d: {  	[timem:s6], [sflag:s22] =	dma.local [hbm:s4], s20  }
0x9e: {  	_ =	swait.ge [sflag:s22], s20  }
0x9f: {  	s3 =	ssub.s32 $0x0, s20;
	[sflag:s22] =	ssyncset.done $0x0  }
0xa0: {  	[sflag:s22] =	ssyncadd.s32 s3;
	_ =	sdelay $0x1  }
0xa1: {  	s23 =	simm.s32 $0x1B8B  }
0xa2: {  	_ =	swait.ge [sflag:s23], $0x1  }
0xa3: {  	[sflag:s23] =	ssyncset.done $0x0  }
0xa4: {  	s25 =	simm.s32 $0x1B8E;
	s24 =	sld [smem:$0x3FFE];
	[sflag:s23] =	ssyncadd.s32 $0xFFFFFFFF  }
0xa5: {  	s26 =	simm.s32 $execute0_lowered;
	[smem:$0x3FD2] =	sst s25  }
0xa6: {  	s4 =	sshll.u32 s26, $0x1;
	_ =	strace $0x8000004C;
	[dreg:$0x1] =	wrdreg $0xFFFFFFFF  }
0xa7: {  	s28 =	simm.s32 $_size_execute0_lowered;
	s2 =	sadd.s32 s2, s4;
	[dreg:$0x0] =	wrdreg $0x0  }
0xa8: {  	s4 =	sshll.u32 s28, $0x1;
	[dreg:$0x2] =	wrdreg s2  }
0xa9: {  	[dreg:$0x3] =	wrdreg s4  }
0xaa: {  	[dreg:$0x4] =	wrdreg $0xC0  }
0xab: {  	_ =	task [dreg:s6], $0x5FFFF  }
0xac: {  	[dreg:$0x1] =	wrdreg $0xFFFFFFFF  }
0xad: {  	[dreg:$0x0] =	wrdreg $0x60  }
0xae: {  	[dreg:$0x2] =	wrdreg s24  }
0xaf: {  	[dreg:$0x3] =	wrdreg $0xA8000  }
0xb0: {  	[dreg:$0x4] =	wrdreg $0x9  }
0xb1: {  	_ =	task.clear_ibuf [dreg:s6], $0x5FFFF;
	_ =	strace $0x9000004C  }
0xb2: {  	s29 =	simm.s32 $0x9;
	_ =	strace $0x8000004E  }
0xb3: {  	_ =	swait.ge [sflag:s29], $0x1  }
0xb4: {  	[sflag:s29] =	ssyncadd.s32 $0xFFFFFFFF  }
0xb5: {  	_ =	strace $0x9000004E  }
0xb6: {  	_ =	sfence  }
0xb7: {  	s30 =	sld [smem:$0x0];
	_ =	sdelay $0x2  }
0xb8: {  	s31 =	sshll.u32 s1, $0xD;
	s1 =	sshrl.u32 s1, $0x2  }
0xb9: {  	s3 =	sand.u32 $0x4000, s31;
	s1 =	sadd.s32 s1, s30  }
0xba: {  	s0 =	sor.u32 s3, s0;
	s1 =	sshll.u32 s1, $0x11  }
0xbb: {  	s0 =	sor.u32 s1, s0  }
0xbc: {  	s0 =	sadd.s32 $0x8F2B, s0  }
0xbd: {  	[sflag:s0] =	ssyncadd.remote.s32 $0x1  }
0xbe: {  	_ =	sfence.sel $0xFFFF  }
0xbf: {  	[dreg:$0x0] =	wrdreg $0xFFFFFFFF;
	(pc) =	sbr.abs _section_cstart, $3  }
0xc0: {  	[dreg:$0x1] =	wrdreg $0xFFFFFFFF  }
0xc1: {  	_ =	task.clear_ibuf [dreg:s6], $0x2FFFF;
	_ =	strace $0x9FFFFFFF  }
0xc2: {  	(tm) =	ssettm $0x7FFFFFFF  }
0xc3: {  	_ =	shalt  }
tec
execute0_lowered:
.L_overlay_start_1:
0x0: {  	(tag) =	ssettag $0x1  }
0x1: {  	s5 =	rddreg [dreg:$0x0]  }
0x2: {  	s2 =	rddreg [dreg:$0x1]  }
0x3: {  	s0 =	rddreg [dreg:$0x2];
	s1 =	stileid.u32  }
0x4: {  	s3 =	simm.s32 $0x0;
	s4 =	srdreg.scid;
	s17 =	simm.s32 $0x6800  }
0x5: {  	s18 =	simm.s32 $0x1;
	s19 =	simm.s32 $0x0;
	s6 =	smul.u32 $0x680, s1  }
0x6: {  	[smem:$0x7FF] =	sst s3;
	s7 =	smul.u32 $0x14000, s1;
	s14 =	sand.u32 $0x1, s4  }
0x7: {  	s8 =	sshll.u32 s1, $0xA;
	s4 =	sadd.s32 $0x19200, s5;
	s12 =	smul.u32 $0x50000, s1  }
0x8: {  	s31 =	sshll.u32 s1, $0x6;
	_ =	strace $0x8000004D;
	s9 =	smul.u32 $0x140000, s14  }
0x9: {  	s10 =	sadd.s32 s8, s5;
	s28 =	ssub.s32 $0x2, s14;
	p0 =	seq.s32 s14, $0x0  }
0xa: {  	s11 =	sadd.s32 s6, s5;
	s26 =	sshrl.u32 s7, $0x3;
	s29 =	sshrl.u32 s28, $0x1  }
0xb: {  	s30 =	sshrl.u32 s12, $0x2;
	s8 =	sadd.s32 $0xEA00, s10;
	s7 =	sadd.s32 s7, s9  }
0xc: {  	s6 =	sadd.s32 s26, s5;
	s15 =	ssub.s32 s28, s29;
	s16 =	sadd.s32 s30, s2  }
0xd: {  	s9 =	sadd.s32 $0x3200, s10;
	s10 =	sadd.s32 $0x12A00, s11;
	s7 =	sshrl.u32 s7, $0x3  }
0xe: {  	s11 =	sadd.s32 $0x7200, s11;
	s13 =	sadd.s32 s7, s5;
	s5 =	simm.s32 $0x61  }
0xf: {  	s6 =	sadd.s32 $0x41200, s6;
	s7 =	sor.u32 $0x1C02, s31;
	s5 =	simm.s32 @!p0 $0x3C  }
0x10: {  	s12 =	sadd.s32 $0x69200, s13;
	s13 =	smax.u32 s15, $0x1;
	p0 =	sne.s32 s14, $0x0  }
0x11: {  	s14 =	sshrl.u32 s16, $0x3;
	s15 =	simm.s32 $0x2;
	s16 =	simm.s32 $0x80  }
.LBB2_1:
0x12: {  	[spmem:s14], [sflag:s7] =	dma.local [hbm:s6], $0x2800  }
0x13: {  	_ =	swait.ge [sflag:s15], $0x2800  }
0x14: {  	[sflag:s15] =	ssyncset.done $0x0  }
0x15: {  	s20 =	simm.s32 @p0 $0x0;
	s21 =	simm.s32 @p0 $0x2;
	[sflag:s15] =	ssyncadd.s32 $0xFFFFD800  }
0x16: {  	[tilespmem:s20], [sflag:$0x2] =	stream.linear.gather @p0 [hbm4b:s8+s20], $0x1E00, $0x38;
	[tilespmem:$0x1E800] =	vst v63  }
0x17: {  	_ =	swait.ge @p0 [sflag:s21], $0x1E00  }
0x18: {  	[sflag:s21] =	ssyncset.done @p0 $0x0  }
0x19: {  	s22 =	simm.s32 @p0 $0x3400;
	[sflag:s21] =	ssyncadd.s32 @p0 $0xFFFFE200  }
0x1a: {  	[tilespmem:s22], [sflag:$0x2] =	stream.linear.gather @p0 [hbm4b:s9+s20], $0x1E00, $0x38;
	[tilespmem:$0x1E800] =	vst v63  }
0x1b: {  	_ =	swait.ge @p0 [sflag:s21], $0x1E00  }
0x1c: {  	[sflag:s21] =	ssyncset.done @p0 $0x0  }
0x1d: {  	s20 =	simm.s32 @!p0 $0x0;
	[sflag:s21] =	ssyncadd.s32 @p0 $0xFFFFE200;
	s21 =	simm.s32 @!p0 $0x2  }
0x1e: {  	[tilespmem:s20], [sflag:$0x2] =	stream.linear.gather @!p0 [hbm4b:s10+s20], $0x3080, $0x38;
	[tilespmem:$0x1E800] =	vst v63  }
0x1f: {  	_ =	swait.ge @!p0 [sflag:s21], $0x3080  }
0x20: {  	[sflag:s21] =	ssyncset.done @!p0 $0x0  }
0x21: {  	s22 =	simm.s32 @!p0 $0x3400;
	[sflag:s21] =	ssyncadd.s32 @!p0 $0xFFFFCF80  }
0x22: {  	[tilespmem:s22], [sflag:$0x2] =	stream.linear.gather @!p0 [hbm4b:s11+s20], $0x3080, $0x38;
	[tilespmem:$0x1E800] =	vst v63  }
0x23: {  	_ =	swait.ge @!p0 [sflag:s21], $0x3080  }
0x24: {  	[sflag:s21] =	ssyncset.done @!p0 $0x0  }
0x25: {  	[sflag:s21] =	ssyncadd.s32 @!p0 $0xFFFFCF80  }
0x26: {  	[bflag:$0x0] =	sbarrier.arrive $0xFFFF  }
0x27: {  	[tilespmem:s17], [sflag:$0x1] =	stream.indirect.gather [hbm4b:s4+s16], $0x80, s3, s16, $0xb8;
	[tilespmem:$0x1E800] =	vst v63  }
0x28: {  	p1 =	sne.s32 s5, $0x1;
	_ =	swait.ge [sflag:s18], $0x4000  }
.Ltmp0:
0x29: {  	[sflag:s18] =	ssyncset.done $0x0;
	(pc) =	sbr.rel @!p1 .LBB2_3-.Ltmp0, $4  }
0x2a: {  	s20 =	simm.s32 $0x3400;
	[sflag:s18] =	ssyncadd.s32 $0xFFFFC000  }
0x2b: {  	[spmem:s2] =	stream.indirect.scatter.add.f32 [tilespmem:s17], [sflag:$0x2], $0x80, s20, s16, $0xb8;
	[tilespmem:$0x1E800] =	vst v63  }
0x2c: {  	_ =	swait.ge [sflag:s15], $0x4000  }
0x2d: {  	s22 =	simm.s32 $0x0;
	s21 =	sadd.s32 $0xFFFFFFFF, s5;
	[sflag:s15] =	ssyncset.done $0x0  }
.LBB2_2:
0x2e: {  	[sflag:s15] =	ssyncadd.s32 $0xFFFFC000;
	s22 =	sadd.s32 $0x80, s22;
	s20 =	sadd.s32 $0x80, s20  }
0x2f: {  	[tilespmem:s17], [sflag:$0x1] =	stream.indirect.gather [hbm4b:s4+s16], $0x80, s22, s16, $0xb8;
	[tilespmem:$0x1E800] =	vst v63  }
0x30: {  	p1 =	sne.s32 s21, $0x1;
	s21 =	sadd.s32 $0xFFFFFFFF, s21;
	_ =	swait.ge [sflag:s18], $0x4000  }
.Ltmp1:
0x31: {  	[sflag:s18] =	ssyncset.done $0x0;
	(pc) =	sbr.rel @p1 .LBB2_2-.Ltmp1, $4  }
0x32: {  	[sflag:s18] =	ssyncadd.s32 $0xFFFFC000  }
0x33: {  	[spmem:s2] =	stream.indirect.scatter.add.f32 [tilespmem:s17], [sflag:$0x2], $0x80, s20, s16, $0xb8;
	[tilespmem:$0x1E800] =	vst v63  }
0x34: {  	_ =	swait.ge [sflag:s15], $0x4000  }
0x35: {  	[sflag:s15] =	ssyncset.done $0x0  }
.LBB2_3:
0x36: {  	s19 =	sadd.s32 $0x1, s19  }
0x37: {  	[sflag:s15] =	ssyncadd.s32 $0xFFFFC000;
	p1 =	sne.s32 s19, s13  }
.Ltmp2:
0x38: {  	[bflag:$0x0] =	sbarrier.arrive $0xFFFF;
	(pc) =	sbr.rel @p1 .LBB2_1-.Ltmp2, $4  }
0x39: {  	[hbm:s12], [sflag:s7] =	dma.local [spmem:s14], $0x2800  }
0x3a: {  	_ =	swait.ge [sflag:s15], $0x2800  }
0x3b: {  	[sflag:s15] =	ssyncset.done $0x0  }
0x3c: {  	[sflag:s15] =	ssyncadd.s32 $0xFFFFD800  }
0x3d: {  	_ =	sfence.sel $0x180000  }
0x3e: {  	[bflag:$0x0] =	sbarrier.arrive $0xFFFF  }
0x3f: {  	p0 =	sne.s32 s1, $0x0;
	_ =	strace $0x9000004D  }
0x40: {  	s0 =	sadd.s32 @!p0 $0x100000, s0;
	[bflag:$0x2] =	sbarrier.arrive $0xFFFF  }
0x41: {  	[sflag:s0] =	ssyncadd.tile.s32 @!p0 $0x1;
	_ =	shalt  }
.Lfunc_end2:
_tile_overlayer_lowered:
.L_overlay_start_2:
0x42: {  	(tag) =	ssettag $0x2  }
0x43: {  	s0 =	rddreg [dreg:$0x0];
	s2 =	stileid.u32  }
0x44: {  	s1 =	rddreg [dreg:$0x1];
	p0 =	sne.s32 s2, $0x0  }
0x45: {  	s3 =	rddreg [dreg:$0x2];
	[bflag:$0x3] =	sbarrier.arrive $0xFFFF;
	s2 =	simm.s32 @!p0 $0x1C02  }
0x46: {  	[timem:s3], [sflag:s2] =	dma.local @!p0 [hbm:s0], s1  }
0x47: {  	s0 =	simm.s32 @!p0 $0x2  }
0x48: {  	_ =	swait.ge @!p0 [sflag:s0], s1  }
0x49: {  	s1 =	ssub.s32 @!p0 $0x0, s1;
	[sflag:s0] =	ssyncset.done @!p0 $0x0  }
0x4a: {  	[sflag:s0] =	ssyncadd.s32 @!p0 s1  }
0x4b: {  	[bflag:$0x3] =	sbarrier.arrive $0xFFFF  }
0x4c: {  	_ =	shalt  }

// kernel: kernel.8.cloned.1.call-start
scs
__scs_entry_jumppad:
0x0: {  	(pc) =	sbr.rel $0x88, $3  }
0x1: {  	(tag) =	ssettag $0x0;
	lr =	simm.s32 $0x1  }
0x2: {  	[smem:$0x3F95] =	sst lr;
	_ =	strace $0xD0000000  }
0x3: {  	_ = 	snop  }
0x4: {  	_ = 	snop  }
0x5: {  	_ = 	snop  }
0x6: {  	_ = 	snop  }
0x7: {  	_ = 	snop  }
__scs_overlays_trampoline_lowered:
0x8: {  	[smem:$0x3FA4] =	sst s0  }
0x9: {  	[smem:$0x3FA5] =	sst s1  }
0xa: {  	[smem:$0x3FA6] =	sst s2  }
0xb: {  	[smem:$0x3FA7] =	sst s3  }
0xc: {  	[smem:$0x3FA8] =	sst s4  }
0xd: {  	[smem:$0x3FA9] =	sst s5  }
0xe: {  	[smem:$0x3FAA] =	sst s6  }
0xf: {  	[smem:$0x3FAB] =	sst s7  }
0x10: {  	[smem:$0x3FAC] =	sst s8  }
0x11: {  	[smem:$0x3FAD] =	sst s9;
	s0 =	simm.s32 @!p0 $0x0  }
0x12: {  	s1 =	sld [smem:$0x3F93];
	s0 =	simm.s32 @p0 $0x1  }
0x13: {  	[smem:$0x3FAE] =	sst s0;
	s0 =	simm.s32 @!p1 $0x0  }
0x14: {  	s2 =	sld [smem:$0x3F92];
	s0 =	simm.s32 @p1 $0x1  }
0x15: {  	[smem:$0x3FAF] =	sst s0;
	s0 =	simm.s32 @!p2 $0x0  }
0x16: {  	s3 =	sld [smem:$0x3FDB];
	s0 =	simm.s32 @p2 $0x1  }
0x17: {  	s4 =	simm.s32 $0x1BF5;
	[smem:$0x3FB1] =	sst s0  }
0x18: {  	s0 =	sld [smem:$0x3F94];
	_ =	swait.ge [sflag:s4], $0x0  }
0x19: {  	s7 =	sld [smem:$0x3F95]  }
0x1a: {  	s8 =	sadd.s32 $0xFFFFE003, lr  }
0x1b: {  	s9 =	sadd.s32 $0xFFFFFEF7, lr;
	s5 =	simm.s32 $0xFFFFFFFF;
	p2 =	slt.u32 s8, $0xFFFFF086  }
0x1c: {  	p1 =	slt.u32 s9, $0xF7A;
	s5 =	simm.s32 @!p2 $0x0  }
0x1d: {  	s5 =	simm.s32 @p1 $0x1;
	p0 =	seq.s32 s7, s2  }
0x1e: {  	s7 =	smul.u32 @!p0 $0xF7A, s2;
	p2 =	seq.s32 @!p0 s5, $0x0  }
0x1f: {  	s9 =	smul.u32 $0xF7A, s1;
	s8 =	simm.s32 @!p0 $0x1BF5;
	p2 =	por !p2, p0  }
0x20: {  	[sflag:s8] =	ssyncset.s32 @!p0 $0xFFFFF086;
	s6 =	sadd.s32 @!p0 s3, s7;
	s7 =	simm.s32 @!p0 $0x108  }
0x21: {  	s3 =	sadd.s32 s3, s9;
	s6 =	sadd.s32 @!p0 $0x88, s6;
	s7 =	simm.s32 @p2 $0x1082  }
0x22: {  	[simem:s7], [sflag:s8] =	dma.local @!p0 [hbm:s6], $0xF7A  }
0x23: {  	s9 =	sor.u32 $0xD0000000, s2;
	s6 =	simm.s32 $0x108;
	_ =	swait.ge @!p0 [sflag:s8], $0x0  }
0x24: {  	s3 =	sadd.s32 $0x88, s3;
	s6 =	simm.s32 @!p1 $0x1082;
	[sflag:s4] =	ssyncset.s32 $0xFFFFF086  }
0x25: {  	[simem:s6], [sflag:s4] =	dma.local [hbm:s3], $0xF7A  }
0x26: {  	[smem:$0x3F95] =	sst s1;
	(tag) =	ssettag s2;
	_ =	strace s9  }
0x27: {  	s1 =	sld [smem:$0x3FA5]  }
0x28: {  	s2 =	sld [smem:$0x3FA6]  }
0x29: {  	s4 =	sld [smem:$0x3FA8]  }
0x2a: {  	p0 =	seq.s32 s5, $0x0;
	s5 =	sld [smem:$0x3FA9]  }
0x2b: {  	s6 =	sld [smem:$0x3FAA]  }
0x2c: {  	s7 =	sld [smem:$0x3FAB]  }
0x2d: {  	s3 =	simm.s32 $0x108;
	s8 =	sld [smem:$0x3FAC]  }
0x2e: {  	s3 =	simm.s32 @!p0 $0x1082;
	s9 =	sld [smem:$0x3FAD]  }
0x2f: {  	lr =	sadd.s32 s0, s3;
	s0 =	sld [smem:$0x3FA4]  }
0x30: {  	s3 =	sld [smem:$0x3FA7]  }
0x31: {  	[smem:$0x3FB0] =	sst s10  }
0x32: {  	s10 =	sld [smem:$0x3FAE];
	_ =	sdelay $0x3  }
0x33: {  	p0 =	seq.s32 s10, $0x1;
	s10 =	sld [smem:$0x3FB0];
	_ =	sdelay $0x3  }
0x34: {  	[smem:$0x3FB0] =	sst s10  }
0x35: {  	s10 =	sld [smem:$0x3FAF];
	_ =	sdelay $0x3  }
0x36: {  	p1 =	seq.s32 s10, $0x1;
	s10 =	sld [smem:$0x3FB0];
	_ =	sdelay $0x3  }
0x37: {  	[smem:$0x3FB0] =	sst s10  }
0x38: {  	s10 =	sld [smem:$0x3FB1]  }
0x39: {  	_ = 	snop;
	(pc) =	sbr.ind lr, $3  }
0x3a: {  	_ = 	snop  }
0x3b: {  	_ = 	snop  }
0x3c: {  	p2 =	seq.s32 s10, $0x1;
	s10 =	sld [smem:$0x3FB0]  }
0x3d: {  	_ =	shalt  }
0x3e: {  	_ =	shalt  }
0x3f: {  	_ =	shalt  }
0x40: {  	_ =	shalt  }
0x41: {  	_ =	shalt  }
0x42: {  	_ =	shalt  }
0x43: {  	_ =	shalt  }
0x44: {  	_ =	shalt  }
0x45: {  	_ =	shalt  }
0x46: {  	_ =	shalt  }
0x47: {  	_ =	shalt  }
0x48: {  	_ =	shalt  }
0x49: {  	_ =	shalt  }
0x4a: {  	_ =	shalt  }
0x4b: {  	_ =	shalt  }
0x4c: {  	_ =	shalt  }
0x4d: {  	_ =	shalt  }
0x4e: {  	_ =	shalt  }
0x4f: {  	_ =	shalt  }
0x50: {  	_ =	shalt  }
0x51: {  	_ =	shalt  }
0x52: {  	_ =	shalt  }
0x53: {  	_ =	shalt  }
0x54: {  	_ =	shalt  }
0x55: {  	_ =	shalt  }
0x56: {  	_ =	shalt  }
0x57: {  	_ =	shalt  }
0x58: {  	_ =	shalt  }
0x59: {  	_ =	shalt  }
0x5a: {  	_ =	shalt  }
0x5b: {  	_ =	shalt  }
0x5c: {  	_ =	shalt  }
0x5d: {  	_ =	shalt  }
0x5e: {  	_ =	shalt  }
0x5f: {  	_ =	shalt  }
0x60: {  	_ =	shalt  }
0x61: {  	_ =	shalt  }
0x62: {  	_ =	shalt  }
0x63: {  	_ =	shalt  }
0x64: {  	_ =	shalt  }
0x65: {  	_ =	shalt  }
0x66: {  	_ =	shalt  }
0x67: {  	_ =	shalt  }
0x68: {  	_ =	shalt  }
0x69: {  	_ =	shalt  }
0x6a: {  	_ =	shalt  }
0x6b: {  	_ =	shalt  }
0x6c: {  	_ =	shalt  }
0x6d: {  	_ =	shalt  }
0x6e: {  	_ =	shalt  }
0x6f: {  	_ =	shalt  }
0x70: {  	_ =	shalt  }
0x71: {  	_ =	shalt  }
0x72: {  	_ =	shalt  }
0x73: {  	_ =	shalt  }
0x74: {  	_ =	shalt  }
0x75: {  	_ =	shalt  }
0x76: {  	_ =	shalt  }
0x77: {  	_ =	shalt  }
0x78: {  	_ =	shalt  }
0x79: {  	_ =	shalt  }
0x7a: {  	_ =	shalt  }
0x7b: {  	_ =	shalt  }
0x7c: {  	_ =	shalt  }
0x7d: {  	_ =	shalt  }
0x7e: {  	_ =	shalt  }
0x7f: {  	_ =	shalt  }
0x80: {  	_ =	shalt  }
0x81: {  	_ =	shalt  }
0x82: {  	_ =	shalt  }
0x83: {  	_ =	shalt  }
0x84: {  	_ =	shalt  }
0x85: {  	_ =	shalt  }
0x86: {  	_ =	shalt  }
0x87: {  	_ =	shalt  }
.Lfunc_end0:
.L_simem_size_0:
called_computation_lowered:
.L_overlay_start_0:
0x88: {  	s2 =	sld [smem:$0x3FD9]  }
0x89: {  	s3 =	sld [smem:$0x3FFE];
	_ =	sdelay $0x1  }
0x8a: {  	s1 =	srdreg.scid  }
0x8b: {  	s0 =	sand.u32 $0x1, s1  }
0x8c: {  	s16 =	sshll.u32 s0, $0xA;
	s2 =	sadd.s32 s3, s2  }
0x8d: {  	s2 =	sadd.s32 s2, s16  }
0x8e: {  	[smem:$0x3FBC] =	sst s2  }
0x8f: {  	_ = 	snop  }
0x90: {  	(tm) =	ssettm $0x1  }
0x91: {  	s17 =	sld [smem:$0x3FFB];
	_ =	sdelay $0x3  }
0x92: {  	_ =	strace s17  }
0x93: {  	s2 =	sld [smem:$0x3FFC];
	_ =	sdelay $0x3  }
0x94: {  	_ =	strace s2  }
0x95: {  	s2 =	sld [smem:$0x3FFD];
	_ =	sdelay $0x3  }
0x96: {  	_ =	strace s2  }
0x97: {  	_ =	strace $0x8FFFFFFF  }
0x98: {  	s18 =	sld [smem:$0x3FDB];
	_ =	sdelay $0x1  }
0x99: {  	s19 =	simm.s32 $_scs_section_size  }
0x9a: {  	s4 =	simm.s32 $_size__tile_overlayer_lowered;
	s5 =	simm.s32 $_tile_overlayer_lowered  }
0x9b: {  	s22 =	simm.s32 $0x1BFF;
	s21 =	sshll.u32 s5, $0x1;
	s2 =	sadd.s32 s19, s18  }
0x9c: {  	s6 =	simm.s32 $0x0;
	s20 =	sshll.u32 s4, $0x1;
	s4 =	sadd.s32 s21, s2  }
0x9d: {  	[timem:s6], [sflag:s22] =	dma.local [hbm:s4], s20  }
0x9e: {  	_ =	swait.ge [sflag:s22], s20  }
0x9f: {  	s3 =	ssub.s32 $0x0, s20;
	[sflag:s22] =	ssyncset.done $0x0  }
0xa0: {  	[sflag:s22] =	ssyncadd.s32 s3;
	_ =	sdelay $0x1  }
0xa1: {  	s23 =	simm.s32 $0x1B8B  }
0xa2: {  	_ =	swait.ge [sflag:s23], $0x1  }
0xa3: {  	[sflag:s23] =	ssyncset.done $0x0  }
0xa4: {  	s25 =	simm.s32 $0x1B8E;
	s24 =	sld [smem:$0x3FFE];
	[sflag:s23] =	ssyncadd.s32 $0xFFFFFFFF  }
0xa5: {  	s26 =	simm.s32 $execute0_lowered;
	[smem:$0x3FD2] =	sst s25  }
0xa6: {  	s4 =	sshll.u32 s26, $0x1;
	_ =	strace $0x80000046;
	[dreg:$0x1] =	wrdreg $0xFFFFFFFF  }
0xa7: {  	s28 =	simm.s32 $_size_execute0_lowered;
	s2 =	sadd.s32 s2, s4;
	[dreg:$0x0] =	wrdreg $0x0  }
0xa8: {  	s4 =	sshll.u32 s28, $0x1;
	[dreg:$0x2] =	wrdreg s2  }
0xa9: {  	[dreg:$0x3] =	wrdreg s4  }
0xaa: {  	[dreg:$0x4] =	wrdreg $0xC0  }
0xab: {  	_ =	task [dreg:s6], $0x5FFFF  }
0xac: {  	[dreg:$0x1] =	wrdreg $0xFFFFFFFF  }
0xad: {  	[dreg:$0x0] =	wrdreg $0x60  }
0xae: {  	[dreg:$0x2] =	wrdreg s24  }
0xaf: {  	[dreg:$0x3] =	wrdreg $0x34800  }
0xb0: {  	[dreg:$0x4] =	wrdreg $0x9  }
0xb1: {  	_ =	task.clear_ibuf [dreg:s6], $0x5FFFF;
	_ =	strace $0x90000046  }
0xb2: {  	s29 =	simm.s32 $0x9;
	_ =	strace $0x80000048  }
0xb3: {  	_ =	swait.ge [sflag:s29], $0x1  }
0xb4: {  	[sflag:s29] =	ssyncadd.s32 $0xFFFFFFFF  }
0xb5: {  	_ =	strace $0x90000048  }
0xb6: {  	_ =	sfence  }
0xb7: {  	s30 =	sld [smem:$0x0];
	_ =	sdelay $0x2  }
0xb8: {  	s31 =	sshll.u32 s1, $0xD;
	s1 =	sshrl.u32 s1, $0x2  }
0xb9: {  	s3 =	sand.u32 $0x4000, s31;
	s1 =	sadd.s32 s1, s30  }
0xba: {  	s0 =	sor.u32 s3, s0;
	s1 =	sshll.u32 s1, $0x11  }
0xbb: {  	s0 =	sor.u32 s1, s0  }
0xbc: {  	s0 =	sadd.s32 $0x8F2B, s0  }
0xbd: {  	[sflag:s0] =	ssyncadd.remote.s32 $0x1  }
0xbe: {  	_ =	sfence.sel $0xFFFF  }
0xbf: {  	[dreg:$0x0] =	wrdreg $0xFFFFFFFF;
	(pc) =	sbr.abs _section_cstart, $3  }
0xc0: {  	[dreg:$0x1] =	wrdreg $0xFFFFFFFF  }
0xc1: {  	_ =	task.clear_ibuf [dreg:s6], $0x2FFFF;
	_ =	strace $0x9FFFFFFF  }
0xc2: {  	(tm) =	ssettm $0x7FFFFFFF  }
0xc3: {  	_ =	shalt  }
tec
execute0_lowered:
.L_overlay_start_1:
0x0: {  	(tag) =	ssettag $0x1  }
0x1: {  	s4 =	rddreg [dreg:$0x0]  }
0x2: {  	s2 =	rddreg [dreg:$0x1]  }
0x3: {  	s0 =	rddreg [dreg:$0x2];
	s1 =	stileid.u32  }
0x4: {  	s3 =	simm.s32 $0x0;
	s6 =	srdreg.scid;
	s14 =	simm.s32 $0x3400  }
0x5: {  	s15 =	simm.s32 $0x20;
	s16 =	simm.s32 $0x10;
	s5 =	smul.u32 $0x680, s1  }
0x6: {  	s17 =	simm.s32 $0x0;
	[smem:$0x7FF] =	sst s3;
	s25 =	smul.u32 $0x500, s1  }
0x7: {  	s11 =	sand.u32 $0x1, s6;
	s7 =	smul.u32 $0x280, s1;
	s26 =	sshll.u32 s1, $0xA  }
0x8: {  	s31 =	sshll.u32 s1, $0x6;
	_ =	strace $0x80000047;
	s8 =	sshll.u32 s11, $0x7  }
0x9: {  	s28 =	sadd.s32 s26, s4;
	s30 =	ssub.s32 $0x2, s11;
	p0 =	seq.s32 s11, $0x0  }
0xa: {  	s9 =	sadd.s32 s5, s4;
	s6 =	sor.u32 s8, s25;
	s29 =	sshrl.u32 s7, $0x3  }
0xb: {  	s12 =	sshrl.u32 s30, $0x1;
	s13 =	sadd.s32 s7, s2;
	s7 =	sadd.s32 $0x3200, s28  }
0xc: {  	s6 =	sshrl.u32 s6, $0x3;
	s5 =	sadd.s32 s29, s4;
	s12 =	ssub.s32 s30, s12  }
0xd: {  	s8 =	sadd.s32 $0x7200, s9;
	s10 =	sadd.s32 s6, s4;
	s4 =	simm.s32 $0x61  }
0xe: {  	s5 =	sadd.s32 $0xDA00, s5;
	s6 =	sor.u32 $0x1C01, s31;
	s4 =	simm.s32 @!p0 $0x3C  }
0xf: {  	s9 =	sadd.s32 $0xE000, s10;
	s10 =	smax.u32 s12, $0x1;
	p0 =	sne.s32 s11, $0x0  }
0x10: {  	v0 =	vimm.f32 $1.000000000e+00;
	s11 =	sshrl.u32 s13, $0x3;
	s12 =	simm.s32 $0x1;
	s13 =	simm.s32 $0x80  }
.LBB2_1:
0x11: {  	[spmem:s11], [sflag:s6] =	dma.local [hbm:s5], $0x50  }
0x12: {  	_ =	swait.ge [sflag:s12], $0x50  }
0x13: {  	[sflag:s12] =	ssyncset.done $0x0  }
0x14: {  	[sflag:s12] =	ssyncadd.s32 $0xFFFFFFB0  }
0x15: {  	[tilespmem:$0x3400] =	vst v0  }
0x16: {  	[tilespmem:$0x3410] =	vst v0  }
0x17: {  	[tilespmem:$0x3420] =	vst v0  }
0x18: {  	[tilespmem:$0x3430] =	vst v0  }
0x19: {  	[tilespmem:$0x3440] =	vst v0  }
0x1a: {  	[tilespmem:$0x3450] =	vst v0  }
0x1b: {  	[tilespmem:$0x3460] =	vst v0  }
0x1c: {  	s18 =	simm.s32 @p0 $0x0;
	[tilespmem:$0x3470] =	vst v0  }
0x1d: {  	[tilespmem:s18], [sflag:$0x1] =	stream.linear.gather @p0 [hbm4b:s7+s18], $0x1E00, $0x38;
	[tilespmem:$0x3700] =	vst v63  }
0x1e: {  	s18 =	simm.s32 @p0 $0x1  }
0x1f: {  	_ =	swait.ge @p0 [sflag:s18], $0x1E00  }
0x20: {  	[sflag:s18] =	ssyncset.done @p0 $0x0  }
0x21: {  	[sflag:s18] =	ssyncadd.s32 @p0 $0xFFFFE200;
	s18 =	simm.s32 @!p0 $0x0  }
0x22: {  	[tilespmem:s18], [sflag:$0x1] =	stream.linear.gather @!p0 [hbm4b:s8+s18], $0x3080, $0x38;
	[tilespmem:$0x3700] =	vst v63  }
0x23: {  	s18 =	simm.s32 @!p0 $0x1  }
0x24: {  	_ =	swait.ge @!p0 [sflag:s18], $0x3080  }
0x25: {  	p1 =	sne.s32 s4, $0x1;
	[sflag:s18] =	ssyncset.done @!p0 $0x0  }
.Ltmp0:
0x26: {  	[sflag:s18] =	ssyncadd.s32 @!p0 $0xFFFFCF80;
	(pc) =	sbr.rel @!p1 .LBB2_3-.Ltmp0, $4  }
0x27: {  	[bflag:$0x0] =	sbarrier.arrive $0xFFFF  }
0x28: {  	[spmem:s2] =	stream.indirect.scatter.add.f32 [tilespmem:s14], [sflag:$0x1], $0x1, s3, s13, $0xb8;
	[tilespmem:$0x3700] =	vst v63  }
0x29: {  	_ =	swait.ge [sflag:s12], $0x80  }
0x2a: {  	s19 =	simm.s32 $0x0;
	s18 =	sadd.s32 $0xFFFFFFFF, s4;
	[sflag:s12] =	ssyncset.done $0x0  }
.LBB2_2:
0x2b: {  	p1 =	sne.s32 s18, $0x1;
	[sflag:s12] =	ssyncadd.s32 $0xFFFFFF80;
	s19 =	sadd.s32 $0x80, s19  }
.Ltmp1:
0x2c: {  	s18 =	sadd.s32 $0xFFFFFFFF, s18;
	(pc) =	sbr.rel @p1 .LBB2_2-.Ltmp1, $4  }
0x2d: {  	_ = 	snop  }
0x2e: {  	[spmem:s2] =	stream.indirect.scatter.add.f32 [tilespmem:s14], [sflag:$0x1], $0x1, s19, s13, $0xb8;
	[tilespmem:$0x3700] =	vst v63  }
0x2f: {  	_ =	swait.ge [sflag:s12], $0x80  }
0x30: {  	[sflag:s12] =	ssyncset.done $0x0  }
.LBB2_3:
0x31: {  	s17 =	sadd.s32 $0x1, s17  }
0x32: {  	[sflag:s12] =	ssyncadd.s32 $0xFFFFFF80;
	p1 =	sne.s32 s17, s10  }
.Ltmp2:
0x33: {  	[bflag:$0x0] =	sbarrier.arrive $0xFFFF;
	(pc) =	sbr.rel @p1 .LBB2_1-.Ltmp2, $4  }
0x34: {  	[hbm:s9@s15], [sflag:s6] =	dma.strided [spmem:s11@s16], $0x50, s12, $0x10   }
0x35: {  	_ =	swait.ge [sflag:s12], $0x50  }
0x36: {  	[sflag:s12] =	ssyncset.done $0x0  }
0x37: {  	[sflag:s12] =	ssyncadd.s32 $0xFFFFFFB0  }
0x38: {  	_ =	sfence.sel $0x180000  }
0x39: {  	[bflag:$0x0] =	sbarrier.arrive $0xFFFF  }
0x3a: {  	p0 =	sne.s32 s1, $0x0;
	_ =	strace $0x90000047  }
0x3b: {  	s0 =	sadd.s32 @!p0 $0x100000, s0;
	[bflag:$0x2] =	sbarrier.arrive $0xFFFF  }
0x3c: {  	[sflag:s0] =	ssyncadd.tile.s32 @!p0 $0x1;
	_ =	shalt  }
.Lfunc_end2:
_tile_overlayer_lowered:
.L_overlay_start_2:
0x3d: {  	(tag) =	ssettag $0x2  }
0x3e: {  	s0 =	rddreg [dreg:$0x0];
	s2 =	stileid.u32  }
0x3f: {  	s1 =	rddreg [dreg:$0x1];
	p0 =	sne.s32 s2, $0x0  }
0x40: {  	s3 =	rddreg [dreg:$0x2];
	[bflag:$0x3] =	sbarrier.arrive $0xFFFF;
	s2 =	simm.s32 @!p0 $0x1C01  }
0x41: {  	[timem:s3], [sflag:s2] =	dma.local @!p0 [hbm:s0], s1  }
0x42: {  	s0 =	simm.s32 @!p0 $0x1  }
0x43: {  	_ =	swait.ge @!p0 [sflag:s0], s1  }
0x44: {  	s1 =	ssub.s32 @!p0 $0x0, s1;
	[sflag:s0] =	ssyncset.done @!p0 $0x0  }
0x45: {  	[sflag:s0] =	ssyncadd.s32 @!p0 s1  }
0x46: {  	[bflag:$0x3] =	sbarrier.arrive $0xFFFF  }
0x47: {  	_ =	shalt  }

</sc_bundles>
